<compile_context>
chip_gen: v7x
topology: tpu7x:2x2x1
jax: 0.10.2.dev20260603
libtpu: 0.0.44.dev20260713+nightly
codegen_flags: <defaults>
</compile_context>

<pallas_src>
import functools

import jax
import jax.numpy as jnp
from jax import lax
from jax.experimental import pallas as pl
from jax.experimental.pallas import tpu as pltpu
from jax.experimental.pallas import tpu_sc as plsc

DIM = 64
BATCH = 16384
GAMMA = 12.0
LANES = 16

NUM_CORES = 2
NUM_SUBCORES = 16
NUM_WORKERS = NUM_CORES * NUM_SUBCORES
BPW = BATCH // NUM_WORKERS
GCHUNK = 128
NCHUNK = BPW // GCHUNK

_mesh = plsc.VectorSubcoreMesh(core_axis_name="c", subcore_axis_name="s")


@functools.partial(
    pl.kernel,
    mesh=_mesh,
    out_type=jax.ShapeDtypeStruct((BATCH,), jnp.float32),
    scratch_types=[
        pltpu.VMEM((NCHUNK, GCHUNK), jnp.int32),
        pltpu.VMEM((NCHUNK, GCHUNK), jnp.int32),
        pltpu.VMEM((NCHUNK, GCHUNK), jnp.int32),
        pltpu.VMEM((BPW, DIM), jnp.float32),
        pltpu.VMEM((BPW, DIM), jnp.float32),
        pltpu.VMEM((BPW, DIM), jnp.float32),
        pltpu.VMEM((BPW,), jnp.float32),
        pltpu.SemaphoreType.DMA,
    ],
    compiler_params=pltpu.CompilerParams(use_tc_tiling_on_sc=False),
)
def _score_kernel(hidx_hbm, ridx_hbm, tidx_hbm, ent_hbm, rel_hbm, out_hbm,
                  hidx, ridx, tidx, hrow, rrow, trow, orow, sem):
    wid = lax.axis_index("s") * NUM_CORES + lax.axis_index("c")
    base = wid * BPW

    pltpu.sync_copy(hidx_hbm.at[wid], hidx)
    pltpu.sync_copy(ridx_hbm.at[wid], ridx)
    pltpu.sync_copy(tidx_hbm.at[wid], tidx)

    copies = []
    for j in range(NCHUNK):
        dst = pl.ds(j * GCHUNK, GCHUNK)
        copies.append(pltpu.async_copy(ent_hbm.at[hidx.at[j]], hrow.at[dst], sem))
        copies.append(pltpu.async_copy(rel_hbm.at[ridx.at[j]], rrow.at[dst], sem))
        copies.append(pltpu.async_copy(ent_hbm.at[tidx.at[j]], trow.at[dst], sem))
    for c in copies:
        c.wait()

    lane_iota = lax.iota(jnp.int32, LANES)
    _dnums = lax.GatherDimensionNumbers(
        offset_dims=(), collapsed_slice_dims=(0,), start_index_map=(0,))

    def _lane_perm(v, idx):
        return lax.gather(v, idx[:, None], _dnums, slice_sizes=(1,),
                          unique_indices=True,
                          mode=lax.GatherScatterMode.PROMISE_IN_BOUNDS)

    def group(g, _):
        def row(k, vec):
            i = g * LANES + k
            acc = jnp.zeros((LANES,), jnp.float32)
            for j in range(DIM // LANES):
                s = pl.ds(j * LANES, LANES)
                acc = acc + jnp.abs(hrow[i, s] + rrow[i, s] - trow[i, s])
            for sh in (8, 4, 2, 1):
                acc = acc + _lane_perm(acc, lane_iota ^ sh)
            return jnp.where(lane_iota == k, acc - GAMMA, vec)

        orow[pl.ds(g * LANES, LANES)] = lax.fori_loop(
            0, LANES, row, jnp.zeros((LANES,), jnp.float32))
        return 0

    lax.fori_loop(0, BPW // LANES, group, 0)

    pltpu.sync_copy(orow, out_hbm.at[pl.ds(base, BPW)])


def kernel(pos_sample, ent_embd, rel_embd):
    idx3 = (NUM_WORKERS, NCHUNK, GCHUNK)
    hidx = pos_sample[:, 0].reshape(idx3)
    ridx = pos_sample[:, 1].reshape(idx3)
    tidx = pos_sample[:, 2].reshape(idx3)
    score = _score_kernel(hidx, ridx, tidx, ent_embd, rel_embd)
    return score[:, None]

# --- scband reference (transcript-rebuilt; emitter-appended) ---
"""Pipeline reference for scband-kgemodel-506806141449 (READ-ONLY COPY).

The authoritative reference and input builder live on the scoring server;
editing this copy changes nothing except your own understanding.
"""

import jax, jax.numpy as jnp
import numpy as np

ENT_NUM = 1000000
REL_NUM = 1000000
DIM = 64
GAMMA = 12.0
BATCH = 16384


def _kaiming_uniform(key, shape):
    # nn.init.kaiming_uniform_ default: gain=sqrt(2), fan_in=shape[1]
    fan_in = shape[1]
    bound = np.sqrt(2.0) * np.sqrt(3.0 / fan_in)
    return jax.random.uniform(key, shape, dtype=jnp.float32, minval=-bound, maxval=bound)


def setup_inputs(seed: int = 0) -> dict:
    key = jax.random.key(seed)
    k1, k2, k3 = jax.random.split(key, 3)
    pos_sample = jax.random.randint(k1, (BATCH, 3), 0, ENT_NUM, dtype=jnp.int32)
    ent_embd = _kaiming_uniform(k2, (ENT_NUM, DIM))
    rel_embd = _kaiming_uniform(k3, (REL_NUM, DIM))
    return {"pos_sample": pos_sample, "ent_embd": ent_embd, "rel_embd": rel_embd}


def reference(pos_sample, ent_embd, rel_embd):
    # get_pos_embd: embedding gathers + unsqueeze(dim=1)
    head = jnp.take(ent_embd, pos_sample[:, 0], axis=0)[:, None, :]
    relation = jnp.take(rel_embd, pos_sample[:, 1], axis=0)[:, None, :]
    tail = jnp.take(ent_embd, pos_sample[:, 2], axis=0)[:, None, :]
    # neg_sample is None -> score = head + relation - tail
    score = head + relation - tail
    # torch.norm(score, p=1, dim=-1) - gamma
    score = jnp.sum(jnp.abs(score), axis=-1) - GAMMA
    return score

if __name__ == "__main__":
    import jax
    _d = setup_inputs()
    print(jax.jit(kernel)(*tuple(_d.values())))

</pallas_src>

<mosaic_0001>
#map = affine_map<(d0, d1) -> (0, 0, 0)>
#map1 = affine_map<(d0, d1) -> (0, 0)>
#map2 = affine_map<(d0, d1) -> (0)>
module attributes {stable_mosaic.version = 14 : i64} {
  func.func @_score_kernel(%arg0: i32, %arg1: i32, %arg2: memref<32x4x128xi32, #tpu.memory_space<hbm>>, %arg3: memref<32x4x128xi32, #tpu.memory_space<hbm>>, %arg4: memref<32x4x128xi32, #tpu.memory_space<hbm>>, %arg5: memref<1000000x64xf32, #tpu.memory_space<hbm>>, %arg6: memref<1000000x64xf32, #tpu.memory_space<hbm>>, %arg7: memref<16384xf32, #tpu.memory_space<hbm>>, %arg8: memref<4x128xi32, #tpu.memory_space<vmem>>, %arg9: memref<4x128xi32, #tpu.memory_space<vmem>>, %arg10: memref<4x128xi32, #tpu.memory_space<vmem>>, %arg11: memref<512x64xf32, #tpu.memory_space<vmem>>, %arg12: memref<512x64xf32, #tpu.memory_space<vmem>>, %arg13: memref<512x64xf32, #tpu.memory_space<vmem>>, %arg14: memref<512xf32, #tpu.memory_space<vmem>>, %arg15: memref<!tpu.dma_semaphore, #tpu.memory_space<semaphore_mem>>) attributes {dimension_semantics = [#tpu.dimension_semantics<core_parallel>, #tpu.dimension_semantics<subcore_parallel>], iteration_bounds = array<i64: 2, 16>, scalar_prefetch = 0 : i64, scratch_operands = 8 : i64, tpu.core_type = #tpu.core_type<sc_vector_subcore>, window_params = [{transform_indices = #map}, {transform_indices = #map}, {transform_indices = #map}, {transform_indices = #map1}, {transform_indices = #map1}, {transform_indices = #map2}]} {
    %mul3A = arith.constant 2 : i32
    %mul3A_0 = arith.muli %arg1, %mul3A : i32
    %add3A = arith.addi %mul3A_0, %arg0 : i32
    %mul3A_1 = arith.constant 512 : i32
    %mul3A_2 = arith.muli %add3A, %mul3A_1 : i32
    "tpu.region"() ({
      %run_scoped3A = tpu.sem_alloc : memref<!tpu.dma_semaphore, #tpu.memory_space<semaphore_mem>>
      %dma_start3A_247 = arith.constant 0 : i32
      %dma_start3A_248 = arith.constant 0 : i32
      %dma_start3A_249 = tpu.memref_slice %arg2[%add3A, %dma_start3A_247, %dma_start3A_248] : memref<32x4x128xi32, #tpu.memory_space<hbm>> -> memref<1x4x128xi32, #tpu.memory_space<hbm>>
      %dma_start3A_250 = tpu.memref_squeeze %dma_start3A_249 : memref<1x4x128xi32, #tpu.memory_space<hbm>> -> memref<4x128xi32, #tpu.memory_space<hbm>>
      %dma_start3A_251 = arith.constant 0 : i32
      %dma_start3A_252 = arith.constant 0 : i32
      %dma_start3A_253 = tpu.memref_slice %arg2[%add3A, %dma_start3A_251, %dma_start3A_252] : memref<32x4x128xi32, #tpu.memory_space<hbm>> -> memref<1x4x128xi32, #tpu.memory_space<hbm>>
      %dma_start3A_254 = tpu.memref_squeeze %dma_start3A_253 : memref<1x4x128xi32, #tpu.memory_space<hbm>> -> memref<4x128xi32, #tpu.memory_space<hbm>>
      tpu.enqueue_dma source(%dma_start3A_254 : memref<4x128xi32, #tpu.memory_space<hbm>>) target(%arg8 : memref<4x128xi32, #tpu.memory_space<vmem>>) target_semaphore(%run_scoped3A : memref<!tpu.dma_semaphore, #tpu.memory_space<semaphore_mem>>)
      %dma_wait3A_255 = arith.constant 0 : i32
      %dma_wait3A_256 = arith.constant 0 : i32
      %dma_wait3A_257 = tpu.memref_slice %arg2[%add3A, %dma_wait3A_255, %dma_wait3A_256] : memref<32x4x128xi32, #tpu.memory_space<hbm>> -> memref<1x4x128xi32, #tpu.memory_space<hbm>>
      %dma_wait3A_258 = tpu.memref_squeeze %dma_wait3A_257 : memref<1x4x128xi32, #tpu.memory_space<hbm>> -> memref<4x128xi32, #tpu.memory_space<hbm>>
      %dma_wait3A_259 = arith.constant 0 : i32
      %dma_wait3A_260 = arith.constant 0 : i32
      %dma_wait3A_261 = tpu.memref_slice %arg2[%add3A, %dma_wait3A_259, %dma_wait3A_260] : memref<32x4x128xi32, #tpu.memory_space<hbm>> -> memref<1x4x128xi32, #tpu.memory_space<hbm>>
      %dma_wait3A_262 = tpu.memref_squeeze %dma_wait3A_261 : memref<1x4x128xi32, #tpu.memory_space<hbm>> -> memref<4x128xi32, #tpu.memory_space<hbm>>
      tpu.wait_dma2 semaphore(%run_scoped3A : memref<!tpu.dma_semaphore, #tpu.memory_space<semaphore_mem>>) src(%dma_wait3A_262 : memref<4x128xi32, #tpu.memory_space<hbm>>) dst(%arg8 : memref<4x128xi32, #tpu.memory_space<vmem>>)
      tpu.yield
    }) : () -> ()
    "tpu.region"() ({
      %run_scoped3A = tpu.sem_alloc : memref<!tpu.dma_semaphore, #tpu.memory_space<semaphore_mem>>
      %dma_start3A_247 = arith.constant 0 : i32
      %dma_start3A_248 = arith.constant 0 : i32
      %dma_start3A_249 = tpu.memref_slice %arg3[%add3A, %dma_start3A_247, %dma_start3A_248] : memref<32x4x128xi32, #tpu.memory_space<hbm>> -> memref<1x4x128xi32, #tpu.memory_space<hbm>>
      %dma_start3A_250 = tpu.memref_squeeze %dma_start3A_249 : memref<1x4x128xi32, #tpu.memory_space<hbm>> -> memref<4x128xi32, #tpu.memory_space<hbm>>
      %dma_start3A_251 = arith.constant 0 : i32
      %dma_start3A_252 = arith.constant 0 : i32
      %dma_start3A_253 = tpu.memref_slice %arg3[%add3A, %dma_start3A_251, %dma_start3A_252] : memref<32x4x128xi32, #tpu.memory_space<hbm>> -> memref<1x4x128xi32, #tpu.memory_space<hbm>>
      %dma_start3A_254 = tpu.memref_squeeze %dma_start3A_253 : memref<1x4x128xi32, #tpu.memory_space<hbm>> -> memref<4x128xi32, #tpu.memory_space<hbm>>
      tpu.enqueue_dma source(%dma_start3A_254 : memref<4x128xi32, #tpu.memory_space<hbm>>) target(%arg9 : memref<4x128xi32, #tpu.memory_space<vmem>>) target_semaphore(%run_scoped3A : memref<!tpu.dma_semaphore, #tpu.memory_space<semaphore_mem>>)
      %dma_wait3A_255 = arith.constant 0 : i32
      %dma_wait3A_256 = arith.constant 0 : i32
      %dma_wait3A_257 = tpu.memref_slice %arg3[%add3A, %dma_wait3A_255, %dma_wait3A_256] : memref<32x4x128xi32, #tpu.memory_space<hbm>> -> memref<1x4x128xi32, #tpu.memory_space<hbm>>
      %dma_wait3A_258 = tpu.memref_squeeze %dma_wait3A_257 : memref<1x4x128xi32, #tpu.memory_space<hbm>> -> memref<4x128xi32, #tpu.memory_space<hbm>>
      %dma_wait3A_259 = arith.constant 0 : i32
      %dma_wait3A_260 = arith.constant 0 : i32
      %dma_wait3A_261 = tpu.memref_slice %arg3[%add3A, %dma_wait3A_259, %dma_wait3A_260] : memref<32x4x128xi32, #tpu.memory_space<hbm>> -> memref<1x4x128xi32, #tpu.memory_space<hbm>>
      %dma_wait3A_262 = tpu.memref_squeeze %dma_wait3A_261 : memref<1x4x128xi32, #tpu.memory_space<hbm>> -> memref<4x128xi32, #tpu.memory_space<hbm>>
      tpu.wait_dma2 semaphore(%run_scoped3A : memref<!tpu.dma_semaphore, #tpu.memory_space<semaphore_mem>>) src(%dma_wait3A_262 : memref<4x128xi32, #tpu.memory_space<hbm>>) dst(%arg9 : memref<4x128xi32, #tpu.memory_space<vmem>>)
      tpu.yield
    }) : () -> ()
    "tpu.region"() ({
      %run_scoped3A = tpu.sem_alloc : memref<!tpu.dma_semaphore, #tpu.memory_space<semaphore_mem>>
      %dma_start3A_247 = arith.constant 0 : i32
      %dma_start3A_248 = arith.constant 0 : i32
      %dma_start3A_249 = tpu.memref_slice %arg4[%add3A, %dma_start3A_247, %dma_start3A_248] : memref<32x4x128xi32, #tpu.memory_space<hbm>> -> memref<1x4x128xi32, #tpu.memory_space<hbm>>
      %dma_start3A_250 = tpu.memref_squeeze %dma_start3A_249 : memref<1x4x128xi32, #tpu.memory_space<hbm>> -> memref<4x128xi32, #tpu.memory_space<hbm>>
      %dma_start3A_251 = arith.constant 0 : i32
      %dma_start3A_252 = arith.constant 0 : i32
      %dma_start3A_253 = tpu.memref_slice %arg4[%add3A, %dma_start3A_251, %dma_start3A_252] : memref<32x4x128xi32, #tpu.memory_space<hbm>> -> memref<1x4x128xi32, #tpu.memory_space<hbm>>
      %dma_start3A_254 = tpu.memref_squeeze %dma_start3A_253 : memref<1x4x128xi32, #tpu.memory_space<hbm>> -> memref<4x128xi32, #tpu.memory_space<hbm>>
      tpu.enqueue_dma source(%dma_start3A_254 : memref<4x128xi32, #tpu.memory_space<hbm>>) target(%arg10 : memref<4x128xi32, #tpu.memory_space<vmem>>) target_semaphore(%run_scoped3A : memref<!tpu.dma_semaphore, #tpu.memory_space<semaphore_mem>>)
      %dma_wait3A_255 = arith.constant 0 : i32
      %dma_wait3A_256 = arith.constant 0 : i32
      %dma_wait3A_257 = tpu.memref_slice %arg4[%add3A, %dma_wait3A_255, %dma_wait3A_256] : memref<32x4x128xi32, #tpu.memory_space<hbm>> -> memref<1x4x128xi32, #tpu.memory_space<hbm>>
      %dma_wait3A_258 = tpu.memref_squeeze %dma_wait3A_257 : memref<1x4x128xi32, #tpu.memory_space<hbm>> -> memref<4x128xi32, #tpu.memory_space<hbm>>
      %dma_wait3A_259 = arith.constant 0 : i32
      %dma_wait3A_260 = arith.constant 0 : i32
      %dma_wait3A_261 = tpu.memref_slice %arg4[%add3A, %dma_wait3A_259, %dma_wait3A_260] : memref<32x4x128xi32, #tpu.memory_space<hbm>> -> memref<1x4x128xi32, #tpu.memory_space<hbm>>
      %dma_wait3A_262 = tpu.memref_squeeze %dma_wait3A_261 : memref<1x4x128xi32, #tpu.memory_space<hbm>> -> memref<4x128xi32, #tpu.memory_space<hbm>>
      tpu.wait_dma2 semaphore(%run_scoped3A : memref<!tpu.dma_semaphore, #tpu.memory_space<semaphore_mem>>) src(%dma_wait3A_262 : memref<4x128xi32, #tpu.memory_space<hbm>>) dst(%arg10 : memref<4x128xi32, #tpu.memory_space<vmem>>)
      tpu.yield
    }) : () -> ()
    %dma_start3A = arith.constant 0 : i32
    %dma_start3A_3 = arith.constant 0 : i32
    %dma_start3A_4 = arith.constant 0 : i32
    %dma_start3A_5 = tpu.memref_slice %arg11[%dma_start3A_3, %dma_start3A_4] : memref<512x64xf32, #tpu.memory_space<vmem>> -> memref<128x64xf32, #tpu.memory_space<vmem>>
    %dma_start3A_6 = arith.constant 0 : i32
    %dma_start3A_7 = tpu.memref_slice %arg8[%dma_start3A, %dma_start3A_6] : memref<4x128xi32, #tpu.memory_space<vmem>> -> memref<1x128xi32, #tpu.memory_space<vmem>>
    %dma_start3A_8 = tpu.memref_squeeze %dma_start3A_7 : memref<1x128xi32, #tpu.memory_space<vmem>> -> memref<128xi32, #tpu.memory_space<vmem>>
    %dma_start3A_9 = arith.constant 0 : i32
    %dma_start3A_10 = arith.constant 0 : i32
    %dma_start3A_11 = tpu.memref_slice %arg5[%dma_start3A_9, %dma_start3A_10] : memref<1000000x64xf32, #tpu.memory_space<hbm>> -> memref<1000000x64xf32, #tpu.memory_space<hbm>>
    tpu.enqueue_indirect_dma source(%dma_start3A_11 : memref<1000000x64xf32, #tpu.memory_space<hbm>>) target(%dma_start3A_5 : memref<128x64xf32, #tpu.memory_space<vmem>>) offsets(%dma_start3A_8 : memref<128xi32, #tpu.memory_space<vmem>>) semaphore(%arg15 : memref<!tpu.dma_semaphore, #tpu.memory_space<semaphore_mem>>)
    %dma_start3A_12 = arith.constant 0 : i32
    %dma_start3A_13 = arith.constant 0 : i32
    %dma_start3A_14 = arith.constant 0 : i32
    %dma_start3A_15 = tpu.memref_slice %arg12[%dma_start3A_13, %dma_start3A_14] : memref<512x64xf32, #tpu.memory_space<vmem>> -> memref<128x64xf32, #tpu.memory_space<vmem>>
    %dma_start3A_16 = arith.constant 0 : i32
    %dma_start3A_17 = tpu.memref_slice %arg9[%dma_start3A_12, %dma_start3A_16] : memref<4x128xi32, #tpu.memory_space<vmem>> -> memref<1x128xi32, #tpu.memory_space<vmem>>
    %dma_start3A_18 = tpu.memref_squeeze %dma_start3A_17 : memref<1x128xi32, #tpu.memory_space<vmem>> -> memref<128xi32, #tpu.memory_space<vmem>>
    %dma_start3A_19 = arith.constant 0 : i32
    %dma_start3A_20 = arith.constant 0 : i32
    %dma_start3A_21 = tpu.memref_slice %arg6[%dma_start3A_19, %dma_start3A_20] : memref<1000000x64xf32, #tpu.memory_space<hbm>> -> memref<1000000x64xf32, #tpu.memory_space<hbm>>
    tpu.enqueue_indirect_dma source(%dma_start3A_21 : memref<1000000x64xf32, #tpu.memory_space<hbm>>) target(%dma_start3A_15 : memref<128x64xf32, #tpu.memory_space<vmem>>) offsets(%dma_start3A_18 : memref<128xi32, #tpu.memory_space<vmem>>) semaphore(%arg15 : memref<!tpu.dma_semaphore, #tpu.memory_space<semaphore_mem>>)
    %dma_start3A_22 = arith.constant 0 : i32
    %dma_start3A_23 = arith.constant 0 : i32
    %dma_start3A_24 = arith.constant 0 : i32
    %dma_start3A_25 = tpu.memref_slice %arg13[%dma_start3A_23, %dma_start3A_24] : memref<512x64xf32, #tpu.memory_space<vmem>> -> memref<128x64xf32, #tpu.memory_space<vmem>>
    %dma_start3A_26 = arith.constant 0 : i32
    %dma_start3A_27 = tpu.memref_slice %arg10[%dma_start3A_22, %dma_start3A_26] : memref<4x128xi32, #tpu.memory_space<vmem>> -> memref<1x128xi32, #tpu.memory_space<vmem>>
    %dma_start3A_28 = tpu.memref_squeeze %dma_start3A_27 : memref<1x128xi32, #tpu.memory_space<vmem>> -> memref<128xi32, #tpu.memory_space<vmem>>
    %dma_start3A_29 = arith.constant 0 : i32
    %dma_start3A_30 = arith.constant 0 : i32
    %dma_start3A_31 = tpu.memref_slice %arg5[%dma_start3A_29, %dma_start3A_30] : memref<1000000x64xf32, #tpu.memory_space<hbm>> -> memref<1000000x64xf32, #tpu.memory_space<hbm>>
    tpu.enqueue_indirect_dma source(%dma_start3A_31 : memref<1000000x64xf32, #tpu.memory_space<hbm>>) target(%dma_start3A_25 : memref<128x64xf32, #tpu.memory_space<vmem>>) offsets(%dma_start3A_28 : memref<128xi32, #tpu.memory_space<vmem>>) semaphore(%arg15 : memref<!tpu.dma_semaphore, #tpu.memory_space<semaphore_mem>>)
    %dma_start3A_32 = arith.constant 1 : i32
    %dma_start3A_33 = arith.constant 128 : i32
    %dma_start3A_34 = arith.constant 0 : i32
    %dma_start3A_35 = tpu.memref_slice %arg11[%dma_start3A_33, %dma_start3A_34] : memref<512x64xf32, #tpu.memory_space<vmem>> -> memref<128x64xf32, #tpu.memory_space<vmem>>
    %dma_start3A_36 = arith.constant 0 : i32
    %dma_start3A_37 = tpu.memref_slice %arg8[%dma_start3A_32, %dma_start3A_36] : memref<4x128xi32, #tpu.memory_space<vmem>> -> memref<1x128xi32, #tpu.memory_space<vmem>>
    %dma_start3A_38 = tpu.memref_squeeze %dma_start3A_37 : memref<1x128xi32, #tpu.memory_space<vmem>> -> memref<128xi32, #tpu.memory_space<vmem>>
    %dma_start3A_39 = arith.constant 0 : i32
    %dma_start3A_40 = arith.constant 0 : i32
    %dma_start3A_41 = tpu.memref_slice %arg5[%dma_start3A_39, %dma_start3A_40] : memref<1000000x64xf32, #tpu.memory_space<hbm>> -> memref<1000000x64xf32, #tpu.memory_space<hbm>>
    tpu.enqueue_indirect_dma source(%dma_start3A_41 : memref<1000000x64xf32, #tpu.memory_space<hbm>>) target(%dma_start3A_35 : memref<128x64xf32, #tpu.memory_space<vmem>>) offsets(%dma_start3A_38 : memref<128xi32, #tpu.memory_space<vmem>>) semaphore(%arg15 : memref<!tpu.dma_semaphore, #tpu.memory_space<semaphore_mem>>)
    %dma_start3A_42 = arith.constant 1 : i32
    %dma_start3A_43 = arith.constant 128 : i32
    %dma_start3A_44 = arith.constant 0 : i32
    %dma_start3A_45 = tpu.memref_slice %arg12[%dma_start3A_43, %dma_start3A_44] : memref<512x64xf32, #tpu.memory_space<vmem>> -> memref<128x64xf32, #tpu.memory_space<vmem>>
    %dma_start3A_46 = arith.constant 0 : i32
    %dma_start3A_47 = tpu.memref_slice %arg9[%dma_start3A_42, %dma_start3A_46] : memref<4x128xi32, #tpu.memory_space<vmem>> -> memref<1x128xi32, #tpu.memory_space<vmem>>
    %dma_start3A_48 = tpu.memref_squeeze %dma_start3A_47 : memref<1x128xi32, #tpu.memory_space<vmem>> -> memref<128xi32, #tpu.memory_space<vmem>>
    %dma_start3A_49 = arith.constant 0 : i32
    %dma_start3A_50 = arith.constant 0 : i32
    %dma_start3A_51 = tpu.memref_slice %arg6[%dma_start3A_49, %dma_start3A_50] : memref<1000000x64xf32, #tpu.memory_space<hbm>> -> memref<1000000x64xf32, #tpu.memory_space<hbm>>
    tpu.enqueue_indirect_dma source(%dma_start3A_51 : memref<1000000x64xf32, #tpu.memory_space<hbm>>) target(%dma_start3A_45 : memref<128x64xf32, #tpu.memory_space<vmem>>) offsets(%dma_start3A_48 : memref<128xi32, #tpu.memory_space<vmem>>) semaphore(%arg15 : memref<!tpu.dma_semaphore, #tpu.memory_space<semaphore_mem>>)
    %dma_start3A_52 = arith.constant 1 : i32
    %dma_start3A_53 = arith.constant 128 : i32
    %dma_start3A_54 = arith.constant 0 : i32
    %dma_start3A_55 = tpu.memref_slice %arg13[%dma_start3A_53, %dma_start3A_54] : memref<512x64xf32, #tpu.memory_space<vmem>> -> memref<128x64xf32, #tpu.memory_space<vmem>>
    %dma_start3A_56 = arith.constant 0 : i32
    %dma_start3A_57 = tpu.memref_slice %arg10[%dma_start3A_52, %dma_start3A_56] : memref<4x128xi32, #tpu.memory_space<vmem>> -> memref<1x128xi32, #tpu.memory_space<vmem>>
    %dma_start3A_58 = tpu.memref_squeeze %dma_start3A_57 : memref<1x128xi32, #tpu.memory_space<vmem>> -> memref<128xi32, #tpu.memory_space<vmem>>
    %dma_start3A_59 = arith.constant 0 : i32
    %dma_start3A_60 = arith.constant 0 : i32
    %dma_start3A_61 = tpu.memref_slice %arg5[%dma_start3A_59, %dma_start3A_60] : memref<1000000x64xf32, #tpu.memory_space<hbm>> -> memref<1000000x64xf32, #tpu.memory_space<hbm>>
    tpu.enqueue_indirect_dma source(%dma_start3A_61 : memref<1000000x64xf32, #tpu.memory_space<hbm>>) target(%dma_start3A_55 : memref<128x64xf32, #tpu.memory_space<vmem>>) offsets(%dma_start3A_58 : memref<128xi32, #tpu.memory_space<vmem>>) semaphore(%arg15 : memref<!tpu.dma_semaphore, #tpu.memory_space<semaphore_mem>>)
    %dma_start3A_62 = arith.constant 2 : i32
    %dma_start3A_63 = arith.constant 256 : i32
    %dma_start3A_64 = arith.constant 0 : i32
    %dma_start3A_65 = tpu.memref_slice %arg11[%dma_start3A_63, %dma_start3A_64] : memref<512x64xf32, #tpu.memory_space<vmem>> -> memref<128x64xf32, #tpu.memory_space<vmem>>
    %dma_start3A_66 = arith.constant 0 : i32
    %dma_start3A_67 = tpu.memref_slice %arg8[%dma_start3A_62, %dma_start3A_66] : memref<4x128xi32, #tpu.memory_space<vmem>> -> memref<1x128xi32, #tpu.memory_space<vmem>>
    %dma_start3A_68 = tpu.memref_squeeze %dma_start3A_67 : memref<1x128xi32, #tpu.memory_space<vmem>> -> memref<128xi32, #tpu.memory_space<vmem>>
    %dma_start3A_69 = arith.constant 0 : i32
    %dma_start3A_70 = arith.constant 0 : i32
    %dma_start3A_71 = tpu.memref_slice %arg5[%dma_start3A_69, %dma_start3A_70] : memref<1000000x64xf32, #tpu.memory_space<hbm>> -> memref<1000000x64xf32, #tpu.memory_space<hbm>>
    tpu.enqueue_indirect_dma source(%dma_start3A_71 : memref<1000000x64xf32, #tpu.memory_space<hbm>>) target(%dma_start3A_65 : memref<128x64xf32, #tpu.memory_space<vmem>>) offsets(%dma_start3A_68 : memref<128xi32, #tpu.memory_space<vmem>>) semaphore(%arg15 : memref<!tpu.dma_semaphore, #tpu.memory_space<semaphore_mem>>)
    %dma_start3A_72 = arith.constant 2 : i32
    %dma_start3A_73 = arith.constant 256 : i32
    %dma_start3A_74 = arith.constant 0 : i32
    %dma_start3A_75 = tpu.memref_slice %arg12[%dma_start3A_73, %dma_start3A_74] : memref<512x64xf32, #tpu.memory_space<vmem>> -> memref<128x64xf32, #tpu.memory_space<vmem>>
    %dma_start3A_76 = arith.constant 0 : i32
    %dma_start3A_77 = tpu.memref_slice %arg9[%dma_start3A_72, %dma_start3A_76] : memref<4x128xi32, #tpu.memory_space<vmem>> -> memref<1x128xi32, #tpu.memory_space<vmem>>
    %dma_start3A_78 = tpu.memref_squeeze %dma_start3A_77 : memref<1x128xi32, #tpu.memory_space<vmem>> -> memref<128xi32, #tpu.memory_space<vmem>>
    %dma_start3A_79 = arith.constant 0 : i32
    %dma_start3A_80 = arith.constant 0 : i32
    %dma_start3A_81 = tpu.memref_slice %arg6[%dma_start3A_79, %dma_start3A_80] : memref<1000000x64xf32, #tpu.memory_space<hbm>> -> memref<1000000x64xf32, #tpu.memory_space<hbm>>
    tpu.enqueue_indirect_dma source(%dma_start3A_81 : memref<1000000x64xf32, #tpu.memory_space<hbm>>) target(%dma_start3A_75 : memref<128x64xf32, #tpu.memory_space<vmem>>) offsets(%dma_start3A_78 : memref<128xi32, #tpu.memory_space<vmem>>) semaphore(%arg15 : memref<!tpu.dma_semaphore, #tpu.memory_space<semaphore_mem>>)
    %dma_start3A_82 = arith.constant 2 : i32
    %dma_start3A_83 = arith.constant 256 : i32
    %dma_start3A_84 = arith.constant 0 : i32
    %dma_start3A_85 = tpu.memref_slice %arg13[%dma_start3A_83, %dma_start3A_84] : memref<512x64xf32, #tpu.memory_space<vmem>> -> memref<128x64xf32, #tpu.memory_space<vmem>>
    %dma_start3A_86 = arith.constant 0 : i32
    %dma_start3A_87 = tpu.memref_slice %arg10[%dma_start3A_82, %dma_start3A_86] : memref<4x128xi32, #tpu.memory_space<vmem>> -> memref<1x128xi32, #tpu.memory_space<vmem>>
    %dma_start3A_88 = tpu.memref_squeeze %dma_start3A_87 : memref<1x128xi32, #tpu.memory_space<vmem>> -> memref<128xi32, #tpu.memory_space<vmem>>
    %dma_start3A_89 = arith.constant 0 : i32
    %dma_start3A_90 = arith.constant 0 : i32
    %dma_start3A_91 = tpu.memref_slice %arg5[%dma_start3A_89, %dma_start3A_90] : memref<1000000x64xf32, #tpu.memory_space<hbm>> -> memref<1000000x64xf32, #tpu.memory_space<hbm>>
    tpu.enqueue_indirect_dma source(%dma_start3A_91 : memref<1000000x64xf32, #tpu.memory_space<hbm>>) target(%dma_start3A_85 : memref<128x64xf32, #tpu.memory_space<vmem>>) offsets(%dma_start3A_88 : memref<128xi32, #tpu.memory_space<vmem>>) semaphore(%arg15 : memref<!tpu.dma_semaphore, #tpu.memory_space<semaphore_mem>>)
    %dma_start3A_92 = arith.constant 3 : i32
    %dma_start3A_93 = arith.constant 384 : i32
    %dma_start3A_94 = arith.constant 0 : i32
    %dma_start3A_95 = tpu.memref_slice %arg11[%dma_start3A_93, %dma_start3A_94] : memref<512x64xf32, #tpu.memory_space<vmem>> -> memref<128x64xf32, #tpu.memory_space<vmem>>
    %dma_start3A_96 = arith.constant 0 : i32
    %dma_start3A_97 = tpu.memref_slice %arg8[%dma_start3A_92, %dma_start3A_96] : memref<4x128xi32, #tpu.memory_space<vmem>> -> memref<1x128xi32, #tpu.memory_space<vmem>>
    %dma_start3A_98 = tpu.memref_squeeze %dma_start3A_97 : memref<1x128xi32, #tpu.memory_space<vmem>> -> memref<128xi32, #tpu.memory_space<vmem>>
    %dma_start3A_99 = arith.constant 0 : i32
    %dma_start3A_100 = arith.constant 0 : i32
    %dma_start3A_101 = tpu.memref_slice %arg5[%dma_start3A_99, %dma_start3A_100] : memref<1000000x64xf32, #tpu.memory_space<hbm>> -> memref<1000000x64xf32, #tpu.memory_space<hbm>>
    tpu.enqueue_indirect_dma source(%dma_start3A_101 : memref<1000000x64xf32, #tpu.memory_space<hbm>>) target(%dma_start3A_95 : memref<128x64xf32, #tpu.memory_space<vmem>>) offsets(%dma_start3A_98 : memref<128xi32, #tpu.memory_space<vmem>>) semaphore(%arg15 : memref<!tpu.dma_semaphore, #tpu.memory_space<semaphore_mem>>)
    %dma_start3A_102 = arith.constant 3 : i32
    %dma_start3A_103 = arith.constant 384 : i32
    %dma_start3A_104 = arith.constant 0 : i32
    %dma_start3A_105 = tpu.memref_slice %arg12[%dma_start3A_103, %dma_start3A_104] : memref<512x64xf32, #tpu.memory_space<vmem>> -> memref<128x64xf32, #tpu.memory_space<vmem>>
    %dma_start3A_106 = arith.constant 0 : i32
    %dma_start3A_107 = tpu.memref_slice %arg9[%dma_start3A_102, %dma_start3A_106] : memref<4x128xi32, #tpu.memory_space<vmem>> -> memref<1x128xi32, #tpu.memory_space<vmem>>
    %dma_start3A_108 = tpu.memref_squeeze %dma_start3A_107 : memref<1x128xi32, #tpu.memory_space<vmem>> -> memref<128xi32, #tpu.memory_space<vmem>>
    %dma_start3A_109 = arith.constant 0 : i32
    %dma_start3A_110 = arith.constant 0 : i32
    %dma_start3A_111 = tpu.memref_slice %arg6[%dma_start3A_109, %dma_start3A_110] : memref<1000000x64xf32, #tpu.memory_space<hbm>> -> memref<1000000x64xf32, #tpu.memory_space<hbm>>
    tpu.enqueue_indirect_dma source(%dma_start3A_111 : memref<1000000x64xf32, #tpu.memory_space<hbm>>) target(%dma_start3A_105 : memref<128x64xf32, #tpu.memory_space<vmem>>) offsets(%dma_start3A_108 : memref<128xi32, #tpu.memory_space<vmem>>) semaphore(%arg15 : memref<!tpu.dma_semaphore, #tpu.memory_space<semaphore_mem>>)
    %dma_start3A_112 = arith.constant 3 : i32
    %dma_start3A_113 = arith.constant 384 : i32
    %dma_start3A_114 = arith.constant 0 : i32
    %dma_start3A_115 = tpu.memref_slice %arg13[%dma_start3A_113, %dma_start3A_114] : memref<512x64xf32, #tpu.memory_space<vmem>> -> memref<128x64xf32, #tpu.memory_space<vmem>>
    %dma_start3A_116 = arith.constant 0 : i32
    %dma_start3A_117 = tpu.memref_slice %arg10[%dma_start3A_112, %dma_start3A_116] : memref<4x128xi32, #tpu.memory_space<vmem>> -> memref<1x128xi32, #tpu.memory_space<vmem>>
    %dma_start3A_118 = tpu.memref_squeeze %dma_start3A_117 : memref<1x128xi32, #tpu.memory_space<vmem>> -> memref<128xi32, #tpu.memory_space<vmem>>
    %dma_start3A_119 = arith.constant 0 : i32
    %dma_start3A_120 = arith.constant 0 : i32
    %dma_start3A_121 = tpu.memref_slice %arg5[%dma_start3A_119, %dma_start3A_120] : memref<1000000x64xf32, #tpu.memory_space<hbm>> -> memref<1000000x64xf32, #tpu.memory_space<hbm>>
    tpu.enqueue_indirect_dma source(%dma_start3A_121 : memref<1000000x64xf32, #tpu.memory_space<hbm>>) target(%dma_start3A_115 : memref<128x64xf32, #tpu.memory_space<vmem>>) offsets(%dma_start3A_118 : memref<128xi32, #tpu.memory_space<vmem>>) semaphore(%arg15 : memref<!tpu.dma_semaphore, #tpu.memory_space<semaphore_mem>>)
    %dma_wait3A = arith.constant 0 : i32
    %dma_wait3A_122 = arith.constant 0 : i32
    %dma_wait3A_123 = arith.constant 0 : i32
    %dma_wait3A_124 = tpu.memref_slice %arg11[%dma_wait3A_122, %dma_wait3A_123] : memref<512x64xf32, #tpu.memory_space<vmem>> -> memref<128x64xf32, #tpu.memory_space<vmem>>
    %dma_wait3A_125 = arith.constant 0 : i32
    %dma_wait3A_126 = tpu.memref_slice %arg8[%dma_wait3A, %dma_wait3A_125] : memref<4x128xi32, #tpu.memory_space<vmem>> -> memref<1x128xi32, #tpu.memory_space<vmem>>
    %dma_wait3A_127 = tpu.memref_squeeze %dma_wait3A_126 : memref<1x128xi32, #tpu.memory_space<vmem>> -> memref<128xi32, #tpu.memory_space<vmem>>
    %dma_wait3A_128 = arith.constant 0 : i32
    %dma_wait3A_129 = arith.constant 0 : i32
    %dma_wait3A_130 = tpu.memref_slice %arg5[%dma_wait3A_128, %dma_wait3A_129] : memref<1000000x64xf32, #tpu.memory_space<hbm>> -> memref<1000000x64xf32, #tpu.memory_space<hbm>>
    tpu.wait_indirect_dma semaphore(%arg15 : memref<!tpu.dma_semaphore, #tpu.memory_space<semaphore_mem>>) src(%dma_wait3A_130 : memref<1000000x64xf32, #tpu.memory_space<hbm>>) dst(%dma_wait3A_124 : memref<128x64xf32, #tpu.memory_space<vmem>>)
    %dma_wait3A_131 = arith.constant 0 : i32
    %dma_wait3A_132 = arith.constant 0 : i32
    %dma_wait3A_133 = arith.constant 0 : i32
    %dma_wait3A_134 = tpu.memref_slice %arg12[%dma_wait3A_132, %dma_wait3A_133] : memref<512x64xf32, #tpu.memory_space<vmem>> -> memref<128x64xf32, #tpu.memory_space<vmem>>
    %dma_wait3A_135 = arith.constant 0 : i32
    %dma_wait3A_136 = tpu.memref_slice %arg9[%dma_wait3A_131, %dma_wait3A_135] : memref<4x128xi32, #tpu.memory_space<vmem>> -> memref<1x128xi32, #tpu.memory_space<vmem>>
    %dma_wait3A_137 = tpu.memref_squeeze %dma_wait3A_136 : memref<1x128xi32, #tpu.memory_space<vmem>> -> memref<128xi32, #tpu.memory_space<vmem>>
    %dma_wait3A_138 = arith.constant 0 : i32
    %dma_wait3A_139 = arith.constant 0 : i32
    %dma_wait3A_140 = tpu.memref_slice %arg6[%dma_wait3A_138, %dma_wait3A_139] : memref<1000000x64xf32, #tpu.memory_space<hbm>> -> memref<1000000x64xf32, #tpu.memory_space<hbm>>
    tpu.wait_indirect_dma semaphore(%arg15 : memref<!tpu.dma_semaphore, #tpu.memory_space<semaphore_mem>>) src(%dma_wait3A_140 : memref<1000000x64xf32, #tpu.memory_space<hbm>>) dst(%dma_wait3A_134 : memref<128x64xf32, #tpu.memory_space<vmem>>)
    %dma_wait3A_141 = arith.constant 0 : i32
    %dma_wait3A_142 = arith.constant 0 : i32
    %dma_wait3A_143 = arith.constant 0 : i32
    %dma_wait3A_144 = tpu.memref_slice %arg13[%dma_wait3A_142, %dma_wait3A_143] : memref<512x64xf32, #tpu.memory_space<vmem>> -> memref<128x64xf32, #tpu.memory_space<vmem>>
    %dma_wait3A_145 = arith.constant 0 : i32
    %dma_wait3A_146 = tpu.memref_slice %arg10[%dma_wait3A_141, %dma_wait3A_145] : memref<4x128xi32, #tpu.memory_space<vmem>> -> memref<1x128xi32, #tpu.memory_space<vmem>>
    %dma_wait3A_147 = tpu.memref_squeeze %dma_wait3A_146 : memref<1x128xi32, #tpu.memory_space<vmem>> -> memref<128xi32, #tpu.memory_space<vmem>>
    %dma_wait3A_148 = arith.constant 0 : i32
    %dma_wait3A_149 = arith.constant 0 : i32
    %dma_wait3A_150 = tpu.memref_slice %arg5[%dma_wait3A_148, %dma_wait3A_149] : memref<1000000x64xf32, #tpu.memory_space<hbm>> -> memref<1000000x64xf32, #tpu.memory_space<hbm>>
    tpu.wait_indirect_dma semaphore(%arg15 : memref<!tpu.dma_semaphore, #tpu.memory_space<semaphore_mem>>) src(%dma_wait3A_150 : memref<1000000x64xf32, #tpu.memory_space<hbm>>) dst(%dma_wait3A_144 : memref<128x64xf32, #tpu.memory_space<vmem>>)
    %dma_wait3A_151 = arith.constant 1 : i32
    %dma_wait3A_152 = arith.constant 128 : i32
    %dma_wait3A_153 = arith.constant 0 : i32
    %dma_wait3A_154 = tpu.memref_slice %arg11[%dma_wait3A_152, %dma_wait3A_153] : memref<512x64xf32, #tpu.memory_space<vmem>> -> memref<128x64xf32, #tpu.memory_space<vmem>>
    %dma_wait3A_155 = arith.constant 0 : i32
    %dma_wait3A_156 = tpu.memref_slice %arg8[%dma_wait3A_151, %dma_wait3A_155] : memref<4x128xi32, #tpu.memory_space<vmem>> -> memref<1x128xi32, #tpu.memory_space<vmem>>
    %dma_wait3A_157 = tpu.memref_squeeze %dma_wait3A_156 : memref<1x128xi32, #tpu.memory_space<vmem>> -> memref<128xi32, #tpu.memory_space<vmem>>
    %dma_wait3A_158 = arith.constant 0 : i32
    %dma_wait3A_159 = arith.constant 0 : i32
    %dma_wait3A_160 = tpu.memref_slice %arg5[%dma_wait3A_158, %dma_wait3A_159] : memref<1000000x64xf32, #tpu.memory_space<hbm>> -> memref<1000000x64xf32, #tpu.memory_space<hbm>>
    tpu.wait_indirect_dma semaphore(%arg15 : memref<!tpu.dma_semaphore, #tpu.memory_space<semaphore_mem>>) src(%dma_wait3A_160 : memref<1000000x64xf32, #tpu.memory_space<hbm>>) dst(%dma_wait3A_154 : memref<128x64xf32, #tpu.memory_space<vmem>>)
    %dma_wait3A_161 = arith.constant 1 : i32
    %dma_wait3A_162 = arith.constant 128 : i32
    %dma_wait3A_163 = arith.constant 0 : i32
    %dma_wait3A_164 = tpu.memref_slice %arg12[%dma_wait3A_162, %dma_wait3A_163] : memref<512x64xf32, #tpu.memory_space<vmem>> -> memref<128x64xf32, #tpu.memory_space<vmem>>
    %dma_wait3A_165 = arith.constant 0 : i32
    %dma_wait3A_166 = tpu.memref_slice %arg9[%dma_wait3A_161, %dma_wait3A_165] : memref<4x128xi32, #tpu.memory_space<vmem>> -> memref<1x128xi32, #tpu.memory_space<vmem>>
    %dma_wait3A_167 = tpu.memref_squeeze %dma_wait3A_166 : memref<1x128xi32, #tpu.memory_space<vmem>> -> memref<128xi32, #tpu.memory_space<vmem>>
    %dma_wait3A_168 = arith.constant 0 : i32
    %dma_wait3A_169 = arith.constant 0 : i32
    %dma_wait3A_170 = tpu.memref_slice %arg6[%dma_wait3A_168, %dma_wait3A_169] : memref<1000000x64xf32, #tpu.memory_space<hbm>> -> memref<1000000x64xf32, #tpu.memory_space<hbm>>
    tpu.wait_indirect_dma semaphore(%arg15 : memref<!tpu.dma_semaphore, #tpu.memory_space<semaphore_mem>>) src(%dma_wait3A_170 : memref<1000000x64xf32, #tpu.memory_space<hbm>>) dst(%dma_wait3A_164 : memref<128x64xf32, #tpu.memory_space<vmem>>)
    %dma_wait3A_171 = arith.constant 1 : i32
    %dma_wait3A_172 = arith.constant 128 : i32
    %dma_wait3A_173 = arith.constant 0 : i32
    %dma_wait3A_174 = tpu.memref_slice %arg13[%dma_wait3A_172, %dma_wait3A_173] : memref<512x64xf32, #tpu.memory_space<vmem>> -> memref<128x64xf32, #tpu.memory_space<vmem>>
    %dma_wait3A_175 = arith.constant 0 : i32
    %dma_wait3A_176 = tpu.memref_slice %arg10[%dma_wait3A_171, %dma_wait3A_175] : memref<4x128xi32, #tpu.memory_space<vmem>> -> memref<1x128xi32, #tpu.memory_space<vmem>>
    %dma_wait3A_177 = tpu.memref_squeeze %dma_wait3A_176 : memref<1x128xi32, #tpu.memory_space<vmem>> -> memref<128xi32, #tpu.memory_space<vmem>>
    %dma_wait3A_178 = arith.constant 0 : i32
    %dma_wait3A_179 = arith.constant 0 : i32
    %dma_wait3A_180 = tpu.memref_slice %arg5[%dma_wait3A_178, %dma_wait3A_179] : memref<1000000x64xf32, #tpu.memory_space<hbm>> -> memref<1000000x64xf32, #tpu.memory_space<hbm>>
    tpu.wait_indirect_dma semaphore(%arg15 : memref<!tpu.dma_semaphore, #tpu.memory_space<semaphore_mem>>) src(%dma_wait3A_180 : memref<1000000x64xf32, #tpu.memory_space<hbm>>) dst(%dma_wait3A_174 : memref<128x64xf32, #tpu.memory_space<vmem>>)
    %dma_wait3A_181 = arith.constant 2 : i32
    %dma_wait3A_182 = arith.constant 256 : i32
    %dma_wait3A_183 = arith.constant 0 : i32
    %dma_wait3A_184 = tpu.memref_slice %arg11[%dma_wait3A_182, %dma_wait3A_183] : memref<512x64xf32, #tpu.memory_space<vmem>> -> memref<128x64xf32, #tpu.memory_space<vmem>>
    %dma_wait3A_185 = arith.constant 0 : i32
    %dma_wait3A_186 = tpu.memref_slice %arg8[%dma_wait3A_181, %dma_wait3A_185] : memref<4x128xi32, #tpu.memory_space<vmem>> -> memref<1x128xi32, #tpu.memory_space<vmem>>
    %dma_wait3A_187 = tpu.memref_squeeze %dma_wait3A_186 : memref<1x128xi32, #tpu.memory_space<vmem>> -> memref<128xi32, #tpu.memory_space<vmem>>
    %dma_wait3A_188 = arith.constant 0 : i32
    %dma_wait3A_189 = arith.constant 0 : i32
    %dma_wait3A_190 = tpu.memref_slice %arg5[%dma_wait3A_188, %dma_wait3A_189] : memref<1000000x64xf32, #tpu.memory_space<hbm>> -> memref<1000000x64xf32, #tpu.memory_space<hbm>>
    tpu.wait_indirect_dma semaphore(%arg15 : memref<!tpu.dma_semaphore, #tpu.memory_space<semaphore_mem>>) src(%dma_wait3A_190 : memref<1000000x64xf32, #tpu.memory_space<hbm>>) dst(%dma_wait3A_184 : memref<128x64xf32, #tpu.memory_space<vmem>>)
    %dma_wait3A_191 = arith.constant 2 : i32
    %dma_wait3A_192 = arith.constant 256 : i32
    %dma_wait3A_193 = arith.constant 0 : i32
    %dma_wait3A_194 = tpu.memref_slice %arg12[%dma_wait3A_192, %dma_wait3A_193] : memref<512x64xf32, #tpu.memory_space<vmem>> -> memref<128x64xf32, #tpu.memory_space<vmem>>
    %dma_wait3A_195 = arith.constant 0 : i32
    %dma_wait3A_196 = tpu.memref_slice %arg9[%dma_wait3A_191, %dma_wait3A_195] : memref<4x128xi32, #tpu.memory_space<vmem>> -> memref<1x128xi32, #tpu.memory_space<vmem>>
    %dma_wait3A_197 = tpu.memref_squeeze %dma_wait3A_196 : memref<1x128xi32, #tpu.memory_space<vmem>> -> memref<128xi32, #tpu.memory_space<vmem>>
    %dma_wait3A_198 = arith.constant 0 : i32
    %dma_wait3A_199 = arith.constant 0 : i32
    %dma_wait3A_200 = tpu.memref_slice %arg6[%dma_wait3A_198, %dma_wait3A_199] : memref<1000000x64xf32, #tpu.memory_space<hbm>> -> memref<1000000x64xf32, #tpu.memory_space<hbm>>
    tpu.wait_indirect_dma semaphore(%arg15 : memref<!tpu.dma_semaphore, #tpu.memory_space<semaphore_mem>>) src(%dma_wait3A_200 : memref<1000000x64xf32, #tpu.memory_space<hbm>>) dst(%dma_wait3A_194 : memref<128x64xf32, #tpu.memory_space<vmem>>)
    %dma_wait3A_201 = arith.constant 2 : i32
    %dma_wait3A_202 = arith.constant 256 : i32
    %dma_wait3A_203 = arith.constant 0 : i32
    %dma_wait3A_204 = tpu.memref_slice %arg13[%dma_wait3A_202, %dma_wait3A_203] : memref<512x64xf32, #tpu.memory_space<vmem>> -> memref<128x64xf32, #tpu.memory_space<vmem>>
    %dma_wait3A_205 = arith.constant 0 : i32
    %dma_wait3A_206 = tpu.memref_slice %arg10[%dma_wait3A_201, %dma_wait3A_205] : memref<4x128xi32, #tpu.memory_space<vmem>> -> memref<1x128xi32, #tpu.memory_space<vmem>>
    %dma_wait3A_207 = tpu.memref_squeeze %dma_wait3A_206 : memref<1x128xi32, #tpu.memory_space<vmem>> -> memref<128xi32, #tpu.memory_space<vmem>>
    %dma_wait3A_208 = arith.constant 0 : i32
    %dma_wait3A_209 = arith.constant 0 : i32
    %dma_wait3A_210 = tpu.memref_slice %arg5[%dma_wait3A_208, %dma_wait3A_209] : memref<1000000x64xf32, #tpu.memory_space<hbm>> -> memref<1000000x64xf32, #tpu.memory_space<hbm>>
    tpu.wait_indirect_dma semaphore(%arg15 : memref<!tpu.dma_semaphore, #tpu.memory_space<semaphore_mem>>) src(%dma_wait3A_210 : memref<1000000x64xf32, #tpu.memory_space<hbm>>) dst(%dma_wait3A_204 : memref<128x64xf32, #tpu.memory_space<vmem>>)
    %dma_wait3A_211 = arith.constant 3 : i32
    %dma_wait3A_212 = arith.constant 384 : i32
    %dma_wait3A_213 = arith.constant 0 : i32
    %dma_wait3A_214 = tpu.memref_slice %arg11[%dma_wait3A_212, %dma_wait3A_213] : memref<512x64xf32, #tpu.memory_space<vmem>> -> memref<128x64xf32, #tpu.memory_space<vmem>>
    %dma_wait3A_215 = arith.constant 0 : i32
    %dma_wait3A_216 = tpu.memref_slice %arg8[%dma_wait3A_211, %dma_wait3A_215] : memref<4x128xi32, #tpu.memory_space<vmem>> -> memref<1x128xi32, #tpu.memory_space<vmem>>
    %dma_wait3A_217 = tpu.memref_squeeze %dma_wait3A_216 : memref<1x128xi32, #tpu.memory_space<vmem>> -> memref<128xi32, #tpu.memory_space<vmem>>
    %dma_wait3A_218 = arith.constant 0 : i32
    %dma_wait3A_219 = arith.constant 0 : i32
    %dma_wait3A_220 = tpu.memref_slice %arg5[%dma_wait3A_218, %dma_wait3A_219] : memref<1000000x64xf32, #tpu.memory_space<hbm>> -> memref<1000000x64xf32, #tpu.memory_space<hbm>>
    tpu.wait_indirect_dma semaphore(%arg15 : memref<!tpu.dma_semaphore, #tpu.memory_space<semaphore_mem>>) src(%dma_wait3A_220 : memref<1000000x64xf32, #tpu.memory_space<hbm>>) dst(%dma_wait3A_214 : memref<128x64xf32, #tpu.memory_space<vmem>>)
    %dma_wait3A_221 = arith.constant 3 : i32
    %dma_wait3A_222 = arith.constant 384 : i32
    %dma_wait3A_223 = arith.constant 0 : i32
    %dma_wait3A_224 = tpu.memref_slice %arg12[%dma_wait3A_222, %dma_wait3A_223] : memref<512x64xf32, #tpu.memory_space<vmem>> -> memref<128x64xf32, #tpu.memory_space<vmem>>
    %dma_wait3A_225 = arith.constant 0 : i32
    %dma_wait3A_226 = tpu.memref_slice %arg9[%dma_wait3A_221, %dma_wait3A_225] : memref<4x128xi32, #tpu.memory_space<vmem>> -> memref<1x128xi32, #tpu.memory_space<vmem>>
    %dma_wait3A_227 = tpu.memref_squeeze %dma_wait3A_226 : memref<1x128xi32, #tpu.memory_space<vmem>> -> memref<128xi32, #tpu.memory_space<vmem>>
    %dma_wait3A_228 = arith.constant 0 : i32
    %dma_wait3A_229 = arith.constant 0 : i32
    %dma_wait3A_230 = tpu.memref_slice %arg6[%dma_wait3A_228, %dma_wait3A_229] : memref<1000000x64xf32, #tpu.memory_space<hbm>> -> memref<1000000x64xf32, #tpu.memory_space<hbm>>
    tpu.wait_indirect_dma semaphore(%arg15 : memref<!tpu.dma_semaphore, #tpu.memory_space<semaphore_mem>>) src(%dma_wait3A_230 : memref<1000000x64xf32, #tpu.memory_space<hbm>>) dst(%dma_wait3A_224 : memref<128x64xf32, #tpu.memory_space<vmem>>)
    %dma_wait3A_231 = arith.constant 3 : i32
    %dma_wait3A_232 = arith.constant 384 : i32
    %dma_wait3A_233 = arith.constant 0 : i32
    %dma_wait3A_234 = tpu.memref_slice %arg13[%dma_wait3A_232, %dma_wait3A_233] : memref<512x64xf32, #tpu.memory_space<vmem>> -> memref<128x64xf32, #tpu.memory_space<vmem>>
    %dma_wait3A_235 = arith.constant 0 : i32
    %dma_wait3A_236 = tpu.memref_slice %arg10[%dma_wait3A_231, %dma_wait3A_235] : memref<4x128xi32, #tpu.memory_space<vmem>> -> memref<1x128xi32, #tpu.memory_space<vmem>>
    %dma_wait3A_237 = tpu.memref_squeeze %dma_wait3A_236 : memref<1x128xi32, #tpu.memory_space<vmem>> -> memref<128xi32, #tpu.memory_space<vmem>>
    %dma_wait3A_238 = arith.constant 0 : i32
    %dma_wait3A_239 = arith.constant 0 : i32
    %dma_wait3A_240 = tpu.memref_slice %arg5[%dma_wait3A_238, %dma_wait3A_239] : memref<1000000x64xf32, #tpu.memory_space<hbm>> -> memref<1000000x64xf32, #tpu.memory_space<hbm>>
    tpu.wait_indirect_dma semaphore(%arg15 : memref<!tpu.dma_semaphore, #tpu.memory_space<semaphore_mem>>) src(%dma_wait3A_240 : memref<1000000x64xf32, #tpu.memory_space<hbm>>) dst(%dma_wait3A_234 : memref<128x64xf32, #tpu.memory_space<vmem>>)
    %iota3A = tpu.iota {dimensions = array<i32: 0>} : vector<16xi32>
    %scan3A = arith.constant 0 : i32
    %scan3A_241 = arith.constant 0 : i32
    %scan3A_242 = arith.constant 32 : i32
    %scan3A_243 = arith.addi %scan3A_241, %scan3A_242 : i32
    %scan3A_244 = arith.constant 1 : i32
    %scan3A_245 = scf.for %scan3A_247 = %scan3A_241 to %scan3A_243 step %scan3A_244 iter_args(%scan3A_248 = %scan3A) -> (i32)  : i32 {
      %broadcast_in_dim3A = arith.constant 0.000000e+00 : f32
      %broadcast_in_dim3A_249 = vector.broadcast %broadcast_in_dim3A : f32 to vector<16xf32>
      %scan3A_250 = arith.constant 0 : i32
      %scan3A_251 = arith.constant 16 : i32
      %scan3A_252 = arith.addi %scan3A_250, %scan3A_251 : i32
      %scan3A_253 = arith.constant 1 : i32
      %scan3A_254 = scf.for %scan3A_262 = %scan3A_250 to %scan3A_252 step %scan3A_253 iter_args(%scan3A_263 = %broadcast_in_dim3A_249) -> (vector<16xf32>)  : i32 {
        %mul3A_264 = arith.constant 16 : i32
        %mul3A_265 = arith.muli %scan3A_247, %mul3A_264 : i32
        %add3A_266 = arith.addi %mul3A_265, %scan3A_262 : i32
        %broadcast_in_dim3A_267 = arith.constant 0.000000e+00 : f32
        %broadcast_in_dim3A_268 = vector.broadcast %broadcast_in_dim3A_267 : f32 to vector<16xf32>
        %get3A = arith.index_cast %add3A_266 : i32 to index
        %get3A_269 = arith.constant 0 : index
        %get3A_270 = tpu.vector_load %arg11[%get3A, %get3A_269] {strides = array<i32>} : memref<512x64xf32, #tpu.memory_space<vmem>>, vector<1x16xf32>,
        %get3A_271 = vector.shape_cast %get3A_270 : vector<1x16xf32> to vector<16xf32>
        %get3A_272 = arith.index_cast %add3A_266 : i32 to index
        %get3A_273 = arith.constant 0 : index
        %get3A_274 = tpu.vector_load %arg12[%get3A_272, %get3A_273] {strides = array<i32>} : memref<512x64xf32, #tpu.memory_space<vmem>>, vector<1x16xf32>,
        %get3A_275 = vector.shape_cast %get3A_274 : vector<1x16xf32> to vector<16xf32>
        %add3A_276 = arith.addf %get3A_271, %get3A_275 : vector<16xf32>
        %get3A_277 = arith.index_cast %add3A_266 : i32 to index
        %get3A_278 = arith.constant 0 : index
        %get3A_279 = tpu.vector_load %arg13[%get3A_277, %get3A_278] {strides = array<i32>} : memref<512x64xf32, #tpu.memory_space<vmem>>, vector<1x16xf32>,
        %get3A_280 = vector.shape_cast %get3A_279 : vector<1x16xf32> to vector<16xf32>
        %sub3A = arith.subf %add3A_276, %get3A_280 : vector<16xf32>
        %abs3A = math.absf %sub3A : vector<16xf32>
        %add3A_281 = arith.addf %broadcast_in_dim3A_268, %abs3A : vector<16xf32>
        %get3A_282 = arith.index_cast %add3A_266 : i32 to index
        %get3A_283 = arith.constant 16 : index
        %get3A_284 = tpu.vector_load %arg11[%get3A_282, %get3A_283] {strides = array<i32>} : memref<512x64xf32, #tpu.memory_space<vmem>>, vector<1x16xf32>,
        %get3A_285 = vector.shape_cast %get3A_284 : vector<1x16xf32> to vector<16xf32>
        %get3A_286 = arith.index_cast %add3A_266 : i32 to index
        %get3A_287 = arith.constant 16 : index
        %get3A_288 = tpu.vector_load %arg12[%get3A_286, %get3A_287] {strides = array<i32>} : memref<512x64xf32, #tpu.memory_space<vmem>>, vector<1x16xf32>,
        %get3A_289 = vector.shape_cast %get3A_288 : vector<1x16xf32> to vector<16xf32>
        %add3A_290 = arith.addf %get3A_285, %get3A_289 : vector<16xf32>
        %get3A_291 = arith.index_cast %add3A_266 : i32 to index
        %get3A_292 = arith.constant 16 : index
        %get3A_293 = tpu.vector_load %arg13[%get3A_291, %get3A_292] {strides = array<i32>} : memref<512x64xf32, #tpu.memory_space<vmem>>, vector<1x16xf32>,
        %get3A_294 = vector.shape_cast %get3A_293 : vector<1x16xf32> to vector<16xf32>
        %sub3A_295 = arith.subf %add3A_290, %get3A_294 : vector<16xf32>
        %abs3A_296 = math.absf %sub3A_295 : vector<16xf32>
        %add3A_297 = arith.addf %add3A_281, %abs3A_296 : vector<16xf32>
        %get3A_298 = arith.index_cast %add3A_266 : i32 to index
        %get3A_299 = arith.constant 32 : index
        %get3A_300 = tpu.vector_load %arg11[%get3A_298, %get3A_299] {strides = array<i32>} : memref<512x64xf32, #tpu.memory_space<vmem>>, vector<1x16xf32>,
        %get3A_301 = vector.shape_cast %get3A_300 : vector<1x16xf32> to vector<16xf32>
        %get3A_302 = arith.index_cast %add3A_266 : i32 to index
        %get3A_303 = arith.constant 32 : index
        %get3A_304 = tpu.vector_load %arg12[%get3A_302, %get3A_303] {strides = array<i32>} : memref<512x64xf32, #tpu.memory_space<vmem>>, vector<1x16xf32>,
        %get3A_305 = vector.shape_cast %get3A_304 : vector<1x16xf32> to vector<16xf32>
        %add3A_306 = arith.addf %get3A_301, %get3A_305 : vector<16xf32>
        %get3A_307 = arith.index_cast %add3A_266 : i32 to index
        %get3A_308 = arith.constant 32 : index
        %get3A_309 = tpu.vector_load %arg13[%get3A_307, %get3A_308] {strides = array<i32>} : memref<512x64xf32, #tpu.memory_space<vmem>>, vector<1x16xf32>,
        %get3A_310 = vector.shape_cast %get3A_309 : vector<1x16xf32> to vector<16xf32>
        %sub3A_311 = arith.subf %add3A_306, %get3A_310 : vector<16xf32>
        %abs3A_312 = math.absf %sub3A_311 : vector<16xf32>
        %add3A_313 = arith.addf %add3A_297, %abs3A_312 : vector<16xf32>
        %get3A_314 = arith.index_cast %add3A_266 : i32 to index
        %get3A_315 = arith.constant 48 : index
        %get3A_316 = tpu.vector_load %arg11[%get3A_314, %get3A_315] {strides = array<i32>} : memref<512x64xf32, #tpu.memory_space<vmem>>, vector<1x16xf32>,
        %get3A_317 = vector.shape_cast %get3A_316 : vector<1x16xf32> to vector<16xf32>
        %get3A_318 = arith.index_cast %add3A_266 : i32 to index
        %get3A_319 = arith.constant 48 : index
        %get3A_320 = tpu.vector_load %arg12[%get3A_318, %get3A_319] {strides = array<i32>} : memref<512x64xf32, #tpu.memory_space<vmem>>, vector<1x16xf32>,
        %get3A_321 = vector.shape_cast %get3A_320 : vector<1x16xf32> to vector<16xf32>
        %add3A_322 = arith.addf %get3A_317, %get3A_321 : vector<16xf32>
        %get3A_323 = arith.index_cast %add3A_266 : i32 to index
        %get3A_324 = arith.constant 48 : index
        %get3A_325 = tpu.vector_load %arg13[%get3A_323, %get3A_324] {strides = array<i32>} : memref<512x64xf32, #tpu.memory_space<vmem>>, vector<1x16xf32>,
        %get3A_326 = vector.shape_cast %get3A_325 : vector<1x16xf32> to vector<16xf32>
        %sub3A_327 = arith.subf %add3A_322, %get3A_326 : vector<16xf32>
        %abs3A_328 = math.absf %sub3A_327 : vector<16xf32>
        %add3A_329 = arith.addf %add3A_313, %abs3A_328 : vector<16xf32>
        %xor3A = arith.constant 8 : i32
        %xor3A_330 = vector.broadcast %xor3A : i32 to vector<16xi32>
        %xor3A_331 = arith.xori %iota3A, %xor3A_330 : vector<16xi32>
        %broadcast_in_dim3A_332 = vector.shape_cast %xor3A_331 : vector<16xi32> to vector<16x1xi32>
        %gather3A = vector.shape_cast %broadcast_in_dim3A_332 : vector<16x1xi32> to vector<16xi32>
        %gather3A_333 = tpu.dynamic_gather %add3A_329[%gather3A] in [0] : vector<16xf32>, vector<16xi32> -> vector<16xf32>
        %add3A_334 = arith.addf %add3A_329, %gather3A_333 : vector<16xf32>
        %xor3A_335 = arith.constant 4 : i32
        %xor3A_336 = vector.broadcast %xor3A_335 : i32 to vector<16xi32>
        %xor3A_337 = arith.xori %iota3A, %xor3A_336 : vector<16xi32>
        %broadcast_in_dim3A_338 = vector.shape_cast %xor3A_337 : vector<16xi32> to vector<16x1xi32>
        %gather3A_339 = vector.shape_cast %broadcast_in_dim3A_338 : vector<16x1xi32> to vector<16xi32>
        %gather3A_340 = tpu.dynamic_gather %add3A_334[%gather3A_339] in [0] : vector<16xf32>, vector<16xi32> -> vector<16xf32>
        %add3A_341 = arith.addf %add3A_334, %gather3A_340 : vector<16xf32>
        %xor3A_342 = arith.constant 2 : i32
        %xor3A_343 = vector.broadcast %xor3A_342 : i32 to vector<16xi32>
        %xor3A_344 = arith.xori %iota3A, %xor3A_343 : vector<16xi32>
        %broadcast_in_dim3A_345 = vector.shape_cast %xor3A_344 : vector<16xi32> to vector<16x1xi32>
        %gather3A_346 = vector.shape_cast %broadcast_in_dim3A_345 : vector<16x1xi32> to vector<16xi32>
        %gather3A_347 = tpu.dynamic_gather %add3A_341[%gather3A_346] in [0] : vector<16xf32>, vector<16xi32> -> vector<16xf32>
        %add3A_348 = arith.addf %add3A_341, %gather3A_347 : vector<16xf32>
        %xor3A_349 = arith.constant 1 : i32
        %xor3A_350 = vector.broadcast %xor3A_349 : i32 to vector<16xi32>
        %xor3A_351 = arith.xori %iota3A, %xor3A_350 : vector<16xi32>
        %broadcast_in_dim3A_352 = vector.shape_cast %xor3A_351 : vector<16xi32> to vector<16x1xi32>
        %gather3A_353 = vector.shape_cast %broadcast_in_dim3A_352 : vector<16x1xi32> to vector<16xi32>
        %gather3A_354 = tpu.dynamic_gather %add3A_348[%gather3A_353] in [0] : vector<16xf32>, vector<16xi32> -> vector<16xf32>
        %add3A_355 = arith.addf %add3A_348, %gather3A_354 : vector<16xf32>
        %eq3A = vector.broadcast %scan3A_262 : i32 to vector<16xi32>
        %eq3A_356 = arith.cmpi eq, %iota3A, %eq3A : vector<16xi32>
        %sub3A_357 = arith.constant 1.200000e+01 : f32
        %sub3A_358 = vector.broadcast %sub3A_357 : f32 to vector<16xf32>
        %sub3A_359 = arith.subf %add3A_355, %sub3A_358 : vector<16xf32>
        %select_n3A = arith.select %eq3A_356, %sub3A_359, %scan3A_263 : vector<16xi1>, vector<16xf32>
        scf.yield %select_n3A : vector<16xf32>
      }
      %scan3A_255 = arith.constant 16 : i32
      %mul3A_256 = arith.constant 16 : i32
      %mul3A_257 = arith.muli %scan3A_247, %mul3A_256 : i32
      %swap3A = arith.index_cast %mul3A_257 : i32 to index
      %swap3A_258 = tpu.vector_load %arg14[%swap3A] {strides = array<i32>} : memref<512xf32, #tpu.memory_space<vmem>>, vector<16xf32>,
      %swap3A_259 = vector.shape_cast %swap3A_258 : vector<16xf32> to vector<16xf32>
      %swap3A_260 = vector.shape_cast %scan3A_254 : vector<16xf32> to vector<16xf32>
      tpu.vector_store %arg14[%swap3A], %swap3A_260 {strides = array<i32>} : memref<512xf32, #tpu.memory_space<vmem>>, vector<16xf32>,
      %scan3A_261 = arith.constant 0 : i32
      scf.yield %scan3A_261 : i32
    }
    %scan3A_246 = arith.constant 32 : i32
    "tpu.region"() ({
      %run_scoped3A = tpu.sem_alloc : memref<!tpu.dma_semaphore, #tpu.memory_space<semaphore_mem>>
      %dma_start3A_247 = tpu.memref_slice %arg7[%mul3A_2] : memref<16384xf32, #tpu.memory_space<hbm>> -> memref<512xf32, #tpu.memory_space<hbm>>
      %dma_start3A_248 = tpu.memref_slice %arg7[%mul3A_2] : memref<16384xf32, #tpu.memory_space<hbm>> -> memref<512xf32, #tpu.memory_space<hbm>>
      tpu.enqueue_dma source(%arg14 : memref<512xf32, #tpu.memory_space<vmem>>) target(%dma_start3A_248 : memref<512xf32, #tpu.memory_space<hbm>>) target_semaphore(%run_scoped3A : memref<!tpu.dma_semaphore, #tpu.memory_space<semaphore_mem>>)
      %dma_wait3A_249 = tpu.memref_slice %arg7[%mul3A_2] : memref<16384xf32, #tpu.memory_space<hbm>> -> memref<512xf32, #tpu.memory_space<hbm>>
      %dma_wait3A_250 = tpu.memref_slice %arg7[%mul3A_2] : memref<16384xf32, #tpu.memory_space<hbm>> -> memref<512xf32, #tpu.memory_space<hbm>>
      tpu.wait_dma2 semaphore(%run_scoped3A : memref<!tpu.dma_semaphore, #tpu.memory_space<semaphore_mem>>) src(%arg14 : memref<512xf32, #tpu.memory_space<vmem>>) dst(%dma_wait3A_250 : memref<512xf32, #tpu.memory_space<hbm>>)
      tpu.yield
    }) : () -> ()
    return
  }
}

</mosaic_0001>

<sc_bundles>
// kernel: kernel.3.cloned.1.call-start
scs
__scs_entry_jumppad:
0x0: {  	(pc) =	sbr.rel $0x88, $3  }
0x1: {  	(tag) =	ssettag $0x0;
	lr =	simm.s32 $0x1  }
0x2: {  	[smem:$0x3F9E] =	sst lr;
	_ =	strace $0xD0000000  }
0x3: {  	_ = 	snop  }
0x4: {  	_ = 	snop  }
0x5: {  	_ = 	snop  }
0x6: {  	_ = 	snop  }
0x7: {  	_ = 	snop  }
__scs_overlays_trampoline_lowered:
0x8: {  	[smem:$0x3FAD] =	sst s0  }
0x9: {  	[smem:$0x3FAE] =	sst s1  }
0xa: {  	[smem:$0x3FAF] =	sst s2  }
0xb: {  	[smem:$0x3FB0] =	sst s3  }
0xc: {  	[smem:$0x3FB1] =	sst s4  }
0xd: {  	[smem:$0x3FB2] =	sst s5  }
0xe: {  	[smem:$0x3FB3] =	sst s6  }
0xf: {  	[smem:$0x3FB4] =	sst s7  }
0x10: {  	[smem:$0x3FB5] =	sst s8  }
0x11: {  	[smem:$0x3FB6] =	sst s9;
	s0 =	simm.s32 @!p0 $0x0  }
0x12: {  	s1 =	sld [smem:$0x3F9C];
	s0 =	simm.s32 @p0 $0x1  }
0x13: {  	[smem:$0x3FB7] =	sst s0;
	s0 =	simm.s32 @!p1 $0x0  }
0x14: {  	s2 =	sld [smem:$0x3F9B];
	s0 =	simm.s32 @p1 $0x1  }
0x15: {  	[smem:$0x3FB8] =	sst s0;
	s0 =	simm.s32 @!p2 $0x0  }
0x16: {  	s3 =	sld [smem:$0x3FDB];
	s0 =	simm.s32 @p2 $0x1  }
0x17: {  	s4 =	simm.s32 $0x1BF5;
	[smem:$0x3FBA] =	sst s0  }
0x18: {  	s0 =	sld [smem:$0x3F9D];
	_ =	swait.ge [sflag:s4], $0x0  }
0x19: {  	s7 =	sld [smem:$0x3F9E]  }
0x1a: {  	s8 =	sadd.s32 $0xFFFFE003, lr  }
0x1b: {  	s9 =	sadd.s32 $0xFFFFFEF7, lr;
	s5 =	simm.s32 $0xFFFFFFFF;
	p2 =	slt.u32 s8, $0xFFFFF086  }
0x1c: {  	p1 =	slt.u32 s9, $0xF7A;
	s5 =	simm.s32 @!p2 $0x0  }
0x1d: {  	s5 =	simm.s32 @p1 $0x1;
	p0 =	seq.s32 s7, s2  }
0x1e: {  	s7 =	smul.u32 @!p0 $0xF7A, s2;
	p2 =	seq.s32 @!p0 s5, $0x0  }
0x1f: {  	s9 =	smul.u32 $0xF7A, s1;
	s8 =	simm.s32 @!p0 $0x1BF5;
	p2 =	por !p2, p0  }
0x20: {  	[sflag:s8] =	ssyncset.s32 @!p0 $0xFFFFF086;
	s6 =	sadd.s32 @!p0 s3, s7;
	s7 =	simm.s32 @!p0 $0x108  }
0x21: {  	s3 =	sadd.s32 s3, s9;
	s6 =	sadd.s32 @!p0 $0x88, s6;
	s7 =	simm.s32 @p2 $0x1082  }
0x22: {  	[simem:s7], [sflag:s8] =	dma.local @!p0 [hbm:s6], $0xF7A  }
0x23: {  	s9 =	sor.u32 $0xD0000000, s2;
	s6 =	simm.s32 $0x108;
	_ =	swait.ge @!p0 [sflag:s8], $0x0  }
0x24: {  	s3 =	sadd.s32 $0x88, s3;
	s6 =	simm.s32 @!p1 $0x1082;
	[sflag:s4] =	ssyncset.s32 $0xFFFFF086  }
0x25: {  	[simem:s6], [sflag:s4] =	dma.local [hbm:s3], $0xF7A  }
0x26: {  	[smem:$0x3F9E] =	sst s1;
	(tag) =	ssettag s2;
	_ =	strace s9  }
0x27: {  	s1 =	sld [smem:$0x3FAE]  }
0x28: {  	s2 =	sld [smem:$0x3FAF]  }
0x29: {  	s4 =	sld [smem:$0x3FB1]  }
0x2a: {  	p0 =	seq.s32 s5, $0x0;
	s5 =	sld [smem:$0x3FB2]  }
0x2b: {  	s6 =	sld [smem:$0x3FB3]  }
0x2c: {  	s7 =	sld [smem:$0x3FB4]  }
0x2d: {  	s3 =	simm.s32 $0x108;
	s8 =	sld [smem:$0x3FB5]  }
0x2e: {  	s3 =	simm.s32 @!p0 $0x1082;
	s9 =	sld [smem:$0x3FB6]  }
0x2f: {  	lr =	sadd.s32 s0, s3;
	s0 =	sld [smem:$0x3FAD]  }
0x30: {  	s3 =	sld [smem:$0x3FB0]  }
0x31: {  	[smem:$0x3FB9] =	sst s10  }
0x32: {  	s10 =	sld [smem:$0x3FB7];
	_ =	sdelay $0x3  }
0x33: {  	p0 =	seq.s32 s10, $0x1;
	s10 =	sld [smem:$0x3FB9];
	_ =	sdelay $0x3  }
0x34: {  	[smem:$0x3FB9] =	sst s10  }
0x35: {  	s10 =	sld [smem:$0x3FB8];
	_ =	sdelay $0x3  }
0x36: {  	p1 =	seq.s32 s10, $0x1;
	s10 =	sld [smem:$0x3FB9];
	_ =	sdelay $0x3  }
0x37: {  	[smem:$0x3FB9] =	sst s10  }
0x38: {  	s10 =	sld [smem:$0x3FBA]  }
0x39: {  	_ = 	snop;
	(pc) =	sbr.ind lr, $3  }
0x3a: {  	_ = 	snop  }
0x3b: {  	_ = 	snop  }
0x3c: {  	p2 =	seq.s32 s10, $0x1;
	s10 =	sld [smem:$0x3FB9]  }
0x3d: {  	_ =	shalt  }
0x3e: {  	_ =	shalt  }
0x3f: {  	_ =	shalt  }
0x40: {  	_ =	shalt  }
0x41: {  	_ =	shalt  }
0x42: {  	_ =	shalt  }
0x43: {  	_ =	shalt  }
0x44: {  	_ =	shalt  }
0x45: {  	_ =	shalt  }
0x46: {  	_ =	shalt  }
0x47: {  	_ =	shalt  }
0x48: {  	_ =	shalt  }
0x49: {  	_ =	shalt  }
0x4a: {  	_ =	shalt  }
0x4b: {  	_ =	shalt  }
0x4c: {  	_ =	shalt  }
0x4d: {  	_ =	shalt  }
0x4e: {  	_ =	shalt  }
0x4f: {  	_ =	shalt  }
0x50: {  	_ =	shalt  }
0x51: {  	_ =	shalt  }
0x52: {  	_ =	shalt  }
0x53: {  	_ =	shalt  }
0x54: {  	_ =	shalt  }
0x55: {  	_ =	shalt  }
0x56: {  	_ =	shalt  }
0x57: {  	_ =	shalt  }
0x58: {  	_ =	shalt  }
0x59: {  	_ =	shalt  }
0x5a: {  	_ =	shalt  }
0x5b: {  	_ =	shalt  }
0x5c: {  	_ =	shalt  }
0x5d: {  	_ =	shalt  }
0x5e: {  	_ =	shalt  }
0x5f: {  	_ =	shalt  }
0x60: {  	_ =	shalt  }
0x61: {  	_ =	shalt  }
0x62: {  	_ =	shalt  }
0x63: {  	_ =	shalt  }
0x64: {  	_ =	shalt  }
0x65: {  	_ =	shalt  }
0x66: {  	_ =	shalt  }
0x67: {  	_ =	shalt  }
0x68: {  	_ =	shalt  }
0x69: {  	_ =	shalt  }
0x6a: {  	_ =	shalt  }
0x6b: {  	_ =	shalt  }
0x6c: {  	_ =	shalt  }
0x6d: {  	_ =	shalt  }
0x6e: {  	_ =	shalt  }
0x6f: {  	_ =	shalt  }
0x70: {  	_ =	shalt  }
0x71: {  	_ =	shalt  }
0x72: {  	_ =	shalt  }
0x73: {  	_ =	shalt  }
0x74: {  	_ =	shalt  }
0x75: {  	_ =	shalt  }
0x76: {  	_ =	shalt  }
0x77: {  	_ =	shalt  }
0x78: {  	_ =	shalt  }
0x79: {  	_ =	shalt  }
0x7a: {  	_ =	shalt  }
0x7b: {  	_ =	shalt  }
0x7c: {  	_ =	shalt  }
0x7d: {  	_ =	shalt  }
0x7e: {  	_ =	shalt  }
0x7f: {  	_ =	shalt  }
0x80: {  	_ =	shalt  }
0x81: {  	_ =	shalt  }
0x82: {  	_ =	shalt  }
0x83: {  	_ =	shalt  }
0x84: {  	_ =	shalt  }
0x85: {  	_ =	shalt  }
0x86: {  	_ =	shalt  }
0x87: {  	_ =	shalt  }
.Lfunc_end0:
.L_simem_size_0:
called_computation_lowered:
.L_overlay_start_0:
0x88: {  	s2 =	sld [smem:$0x3FD9]  }
0x89: {  	s3 =	sld [smem:$0x3FFE];
	_ =	sdelay $0x1  }
0x8a: {  	s1 =	srdreg.scid  }
0x8b: {  	s0 =	sand.u32 $0x1, s1  }
0x8c: {  	s17 =	sshll.u32 s0, $0xA;
	s2 =	sadd.s32 s3, s2  }
0x8d: {  	s2 =	sadd.s32 s2, s17  }
0x8e: {  	[smem:$0x3FC5] =	sst s2  }
0x8f: {  	_ = 	snop  }
0x90: {  	s2 =	sld [smem:$0x3FD0];
	(tm) =	ssettm $0x1  }
0x91: {  	s18 =	sld [smem:$0x3FFB];
	_ =	sdelay $0x3  }
0x92: {  	_ =	strace s18  }
0x93: {  	s3 =	sld [smem:$0x3FFC];
	_ =	sdelay $0x3  }
0x94: {  	_ =	strace s3  }
0x95: {  	s3 =	sld [smem:$0x3FFD];
	_ =	sdelay $0x3  }
0x96: {  	_ =	strace s3  }
0x97: {  	_ =	strace $0x8FFFFFFF  }
0x98: {  	s19 =	sld [smem:$0x3FDB];
	_ =	sdelay $0x1  }
0x99: {  	s4 =	simm.s32 $_scs_section_size  }
0x9a: {  	s5 =	simm.s32 $_size__tile_overlayer_lowered;
	s6 =	simm.s32 $_tile_overlayer_lowered  }
0x9b: {  	s22 =	simm.s32 $0x1BFF;
	s21 =	sshll.u32 s6, $0x1;
	s3 =	sadd.s32 s4, s19  }
0x9c: {  	s7 =	simm.s32 $0x0;
	s20 =	sshll.u32 s5, $0x1;
	s5 =	sadd.s32 s21, s3  }
0x9d: {  	[timem:s7], [sflag:s22] =	dma.local [hbm:s5], s20  }
0x9e: {  	_ =	swait.ge [sflag:s22], s20  }
0x9f: {  	s4 =	ssub.s32 $0x0, s20;
	[sflag:s22] =	ssyncset.done $0x0  }
0xa0: {  	[sflag:s22] =	ssyncadd.s32 s4;
	_ =	sdelay $0x1  }
0xa1: {  	s23 =	simm.s32 $0x1B8B  }
0xa2: {  	_ =	swait.ge [sflag:s23], $0x1  }
0xa3: {  	[sflag:s23] =	ssyncset.done $0x0  }
0xa4: {  	s25 =	simm.s32 $0x1B8E;
	s24 =	sld [smem:$0x3FFE];
	[sflag:s23] =	ssyncadd.s32 $0xFFFFFFFF  }
0xa5: {  	s26 =	simm.s32 $execute0_lowered;
	[smem:$0x3FD2] =	sst s25  }
0xa6: {  	s5 =	sshll.u32 s26, $0x1;
	_ =	strace $0x80000046;
	[dreg:$0x1] =	wrdreg $0xFFFFFFFF  }
0xa7: {  	s28 =	simm.s32 $_size_execute0_lowered;
	s3 =	sadd.s32 s3, s5;
	[dreg:$0x0] =	wrdreg $0x0  }
0xa8: {  	s5 =	sshll.u32 s28, $0x1;
	[dreg:$0x2] =	wrdreg s3  }
0xa9: {  	[dreg:$0x3] =	wrdreg s5  }
0xaa: {  	[dreg:$0x4] =	wrdreg $0xC0  }
0xab: {  	_ =	task [dreg:s7], $0x5FFFF  }
0xac: {  	[dreg:$0x1] =	wrdreg $0xFFFFFFFF  }
0xad: {  	[dreg:$0x0] =	wrdreg $0x60  }
0xae: {  	[dreg:$0x2] =	wrdreg s24  }
0xaf: {  	[dreg:$0x3] =	wrdreg s2  }
0xb0: {  	[dreg:$0x4] =	wrdreg $0x9  }
0xb1: {  	_ =	task.clear_ibuf [dreg:s7], $0x5FFFF;
	_ =	strace $0x90000046  }
0xb2: {  	s29 =	simm.s32 $0x9;
	_ =	strace $0x80000048  }
0xb3: {  	_ =	swait.ge [sflag:s29], $0x1  }
0xb4: {  	[sflag:s29] =	ssyncadd.s32 $0xFFFFFFFF  }
0xb5: {  	_ =	strace $0x90000048  }
0xb6: {  	_ =	sfence  }
0xb7: {  	s30 =	sld [smem:$0x0];
	_ =	sdelay $0x2  }
0xb8: {  	s31 =	sshll.u32 s1, $0xD;
	s1 =	sshrl.u32 s1, $0x2  }
0xb9: {  	s3 =	sand.u32 $0x4000, s31;
	s1 =	sadd.s32 s1, s30  }
0xba: {  	s0 =	sor.u32 s3, s0;
	s1 =	sshll.u32 s1, $0x11  }
0xbb: {  	s0 =	sor.u32 s1, s0  }
0xbc: {  	s0 =	sadd.s32 $0x8F2B, s0  }
0xbd: {  	[sflag:s0] =	ssyncadd.remote.s32 $0x1  }
0xbe: {  	_ =	sfence.sel $0xFFFF  }
0xbf: {  	[dreg:$0x0] =	wrdreg $0xFFFFFFFF;
	(pc) =	sbr.abs _section_cstart, $3  }
0xc0: {  	[dreg:$0x1] =	wrdreg $0xFFFFFFFF  }
0xc1: {  	_ =	task.clear_ibuf [dreg:s7], $0x2FFFF;
	_ =	strace $0x9FFFFFFF  }
0xc2: {  	(tm) =	ssettm $0x7FFFFFFF  }
0xc3: {  	_ =	shalt  }
tec
execute0_lowered:
.L_overlay_start_1:
0x0: {  	(tag) =	ssettag $0x1  }
0x1: {  	s0 =	rddreg [dreg:$0x0]  }
0x2: {  	s1 =	rddreg [dreg:$0x1];
	v0 =	vimm.s32 $0xFEDCBA98;
	v1 =	vimm.s32 $0x76543210;
	s8 =	simm.s32 $0x200;
	s9 =	simm.s32 $0x400  }
0x3: {  	s3 =	srdreg.scid;
	s2 =	simm.s32 $0x0;
	s5 =	stileid.u32;
	v2 =	vimm.s32 $0xBA98FEDC;
	v3 =	vimm.s32 $0x32107654;
	v4 =	vimm.s32 $0xDCFE98BA  }
0x4: {  	s20 =	simm.s32 $0x2;
	s21 =	simm.s32 $0x80;
	v5 =	vimm.s32 $0x54761032;
	v6 =	vimm.s32 $0xEFCDAB89;
	s30 =	simm.s32 $0x6600  }
0x5: {  	v7 =	vimm.s32 $0x67452301;
	s31 =	simm.s32 $0x380;
	s12 =	simm.s32 $0x18600;
	s13 =	simm.s32 $0x0;
	v0 =	vunpack.c.l.s4.s8 v0;
	v1 =	vunpack.c.l.s4.s8 v1  }
0x6: {  	s4 =	sand.u32 $0x1, s3;
	[smem:$0x7FF] =	sst s2;
	s26 =	sshll.u32 s5, $0x7;
	v2 =	vunpack.c.l.s4.s8 v2;
	v3 =	vunpack.c.l.s4.s8 v3;
	v4 =	vunpack.c.l.s4.s8 v4  }
0x7: {  	s3 =	sadd.s32 $0xF44200, s0;
	v5 =	vunpack.c.l.s4.s8 v5;
	v6 =	vunpack.c.l.s4.s8 v6;
	v7 =	vunpack.c.l.s4.s8 v7;
	s28 =	sshll.u32 s4, $0x6;
	s11 =	ssub.s32 $0x2, s4  }
0x8: {  	_ =	strace $0x80000047;
	s10 =	sor.u32 s28, s26;
	s29 =	sshrl.u32 s11, $0x1;
	v0 =	vunpack.c.0.s8.s32 v0;
	v1 =	vunpack.c.0.s8.s32 v1;
	v2 =	vunpack.c.0.s8.s32 v2  }
0x9: {  	s4 =	sadd.s32 $0x16E5400, s0;
	v3 =	vunpack.c.0.s8.s32 v3;
	v4 =	vunpack.c.0.s8.s32 v4;
	v5 =	vunpack.c.0.s8.s32 v5;
	s7 =	sadd.s32 s10, s0;
	s0 =	ssub.s32 s11, s29  }
0xa: {  	v6 =	vunpack.c.0.s8.s32 v6;
	v7 =	vunpack.c.0.s8.s32 v7;
	s15 =	sadd.s32 s1, s10;
	s1 =	simm.s32 $0x580;
	s10 =	simm.s32 $0x16600;
	v0 =	vand.u32 $0xF, v0  }
0xb: {  	s11 =	simm.s32 $0x1;
	s5 =	sadd.s32 $0x1600, s7;
	s6 =	sadd.s32 $0xE00, s7;
	v0 =	vcombine.low v0, v1;
	v1 =	vcombine.low v3, v2  }
0xc: {  	s7 =	sadd.s32 $0x600, s7;
	s19 =	smax.u32 s0, $0x1;
	s0 =	simm.s32 $0xE600;
	v2 =	vcombine.low v5, v4;
	v3 =	vcombine.low v7, v6;
	v4 =	vlaneseq.u32  }
.LBB2_1:
0xd: {  	[tilespmem:s2], [sflag:$0x2] =	stream.linear.gather [hbm4b:s5+s2], $0x200, $0x38;
	[tilespmem:$0x18800] =	vst v63  }
0xe: {  	_ =	swait.ge [sflag:s20], $0x200  }
0xf: {  	[sflag:s20] =	ssyncset.done $0x0  }
0x10: {  	[sflag:s20] =	ssyncadd.s32 $0xFFFFFE00  }
0x11: {  	[tilespmem:s8], [sflag:$0x2] =	stream.linear.gather [hbm4b:s6+s2], $0x200, $0x38;
	[tilespmem:$0x18800] =	vst v63  }
0x12: {  	_ =	swait.ge [sflag:s20], $0x200  }
0x13: {  	[sflag:s20] =	ssyncset.done $0x0  }
0x14: {  	[sflag:s20] =	ssyncadd.s32 $0xFFFFFE00  }
0x15: {  	[tilespmem:s9], [sflag:$0x2] =	stream.linear.gather [hbm4b:s7+s2], $0x200, $0x38;
	[tilespmem:$0x18800] =	vst v63  }
0x16: {  	_ =	swait.ge [sflag:s20], $0x200  }
0x17: {  	[sflag:s20] =	ssyncset.done $0x0  }
0x18: {  	s14 =	simm.s32 $0x600;
	[sflag:s20] =	ssyncadd.s32 $0xFFFFFE00  }
0x19: {  	[tilespmem:s14], [sflag:$0x1] =	stream.indirect.gather [hbm4b:s3+s21], $0x40, s2, s21, $0xb8;
	[tilespmem:$0x18800] =	vst v63  }
0x1a: {  	s25 =	simm.s32 $0x8600  }
0x1b: {  	[tilespmem:s25], [sflag:$0x1] =	stream.indirect.gather [hbm4b:s4+s21], $0x40, s8, s21, $0xb8;
	[tilespmem:$0x18800] =	vst v63  }
0x1c: {  	s26 =	simm.s32 $0x10600  }
0x1d: {  	[tilespmem:s26], [sflag:$0x1] =	stream.indirect.gather [hbm4b:s3+s21], $0x40, s9, s21, $0xb8;
	[tilespmem:$0x18800] =	vst v63  }
0x1e: {  	s28 =	simm.s32 $0x2600  }
0x1f: {  	[tilespmem:s28], [sflag:$0x1] =	stream.indirect.gather [hbm4b:s3+s21], $0x40, s21, s21, $0xb8;
	[tilespmem:$0x18800] =	vst v63  }
0x20: {  	s29 =	simm.s32 $0x280;
	s16 =	simm.s32 $0xA600  }
0x21: {  	[tilespmem:s16], [sflag:$0x1] =	stream.indirect.gather [hbm4b:s4+s21], $0x40, s29, s21, $0xb8;
	[tilespmem:$0x18800] =	vst v63  }
0x22: {  	s17 =	simm.s32 $0x480;
	s18 =	simm.s32 $0x12600  }
0x23: {  	[tilespmem:s18], [sflag:$0x1] =	stream.indirect.gather [hbm4b:s3+s21], $0x40, s17, s21, $0xb8;
	[tilespmem:$0x18800] =	vst v63  }
0x24: {  	s22 =	simm.s32 $0x100;
	s23 =	simm.s32 $0x4600  }
0x25: {  	[tilespmem:s23], [sflag:$0x1] =	stream.indirect.gather [hbm4b:s3+s21], $0x40, s22, s21, $0xb8;
	[tilespmem:$0x18800] =	vst v63  }
0x26: {  	s24 =	simm.s32 $0x300;
	s25 =	simm.s32 $0xC600  }
0x27: {  	[tilespmem:s25], [sflag:$0x1] =	stream.indirect.gather [hbm4b:s4+s21], $0x40, s24, s21, $0xb8;
	[tilespmem:$0x18800] =	vst v63  }
0x28: {  	s26 =	simm.s32 $0x500;
	s28 =	simm.s32 $0x14600  }
0x29: {  	[tilespmem:s28], [sflag:$0x1] =	stream.indirect.gather [hbm4b:s3+s21], $0x40, s26, s21, $0xb8;
	[tilespmem:$0x18800] =	vst v63  }
0x2a: {  	s29 =	simm.s32 $0x180  }
0x2b: {  	[tilespmem:s30], [sflag:$0x1] =	stream.indirect.gather [hbm4b:s3+s21], $0x40, s29, s21, $0xb8;
	[tilespmem:$0x18800] =	vst v63  }
0x2c: {  	_ = 	snop  }
0x2d: {  	[tilespmem:s0], [sflag:$0x1] =	stream.indirect.gather [hbm4b:s4+s21], $0x40, s31, s21, $0xb8;
	[tilespmem:$0x18800] =	vst v63  }
0x2e: {  	_ = 	snop  }
0x2f: {  	[tilespmem:s10], [sflag:$0x1] =	stream.indirect.gather [hbm4b:s3+s21], $0x40, s1, s21, $0xb8;
	[tilespmem:$0x18800] =	vst v63  }
0x30: {  	_ =	swait.ge [sflag:s11], $0x2000  }
0x31: {  	[sflag:s11] =	ssyncset.done $0x0  }
0x32: {  	[sflag:s11] =	ssyncadd.s32 $0xFFFFE000  }
0x33: {  	_ =	swait.ge [sflag:s11], $0x2000  }
0x34: {  	[sflag:s11] =	ssyncset.done $0x0  }
0x35: {  	[sflag:s11] =	ssyncadd.s32 $0xFFFFE000  }
0x36: {  	_ =	swait.ge [sflag:s11], $0x2000  }
0x37: {  	[sflag:s11] =	ssyncset.done $0x0  }
0x38: {  	[sflag:s11] =	ssyncadd.s32 $0xFFFFE000  }
0x39: {  	_ =	swait.ge [sflag:s11], $0x2000  }
0x3a: {  	[sflag:s11] =	ssyncset.done $0x0  }
0x3b: {  	[sflag:s11] =	ssyncadd.s32 $0xFFFFE000  }
0x3c: {  	_ =	swait.ge [sflag:s11], $0x2000  }
0x3d: {  	[sflag:s11] =	ssyncset.done $0x0  }
0x3e: {  	[sflag:s11] =	ssyncadd.s32 $0xFFFFE000  }
0x3f: {  	_ =	swait.ge [sflag:s11], $0x2000  }
0x40: {  	[sflag:s11] =	ssyncset.done $0x0  }
0x41: {  	[sflag:s11] =	ssyncadd.s32 $0xFFFFE000  }
0x42: {  	_ =	swait.ge [sflag:s11], $0x2000  }
0x43: {  	[sflag:s11] =	ssyncset.done $0x0  }
0x44: {  	[sflag:s11] =	ssyncadd.s32 $0xFFFFE000  }
0x45: {  	_ =	swait.ge [sflag:s11], $0x2000  }
0x46: {  	[sflag:s11] =	ssyncset.done $0x0  }
0x47: {  	[sflag:s11] =	ssyncadd.s32 $0xFFFFE000  }
0x48: {  	_ =	swait.ge [sflag:s11], $0x2000  }
0x49: {  	[sflag:s11] =	ssyncset.done $0x0  }
0x4a: {  	[sflag:s11] =	ssyncadd.s32 $0xFFFFE000  }
0x4b: {  	_ =	swait.ge [sflag:s11], $0x2000  }
0x4c: {  	[sflag:s11] =	ssyncset.done $0x0  }
0x4d: {  	[sflag:s11] =	ssyncadd.s32 $0xFFFFE000  }
0x4e: {  	_ =	swait.ge [sflag:s11], $0x2000  }
0x4f: {  	[sflag:s11] =	ssyncset.done $0x0  }
0x50: {  	[sflag:s11] =	ssyncadd.s32 $0xFFFFE000  }
0x51: {  	_ =	swait.ge [sflag:s11], $0x2000  }
0x52: {  	s14 =	simm.s32 $0x620;
	s16 =	simm.s32 $0x8620;
	[sflag:s11] =	ssyncset.done $0x0  }
0x53: {  	s17 =	simm.s32 $0x10620;
	s18 =	simm.s32 $0x0;
	[sflag:s11] =	ssyncadd.s32 $0xFFFFE000  }
.LBB2_2:
0x54: {  	v5 =	vld [tilespmem:s14+$0x10]  }
0x55: {  	v6 =	vld [tilespmem:s14+$0x0]  }
0x56: {  	v7 =	vld [tilespmem:s16+$0x0]  }
0x57: {  	v8 =	vld [tilespmem:s14+$0xFFFFFFE0]  }
0x58: {  	v9 =	vld [tilespmem:s16+$0xFFFFFFE0]  }
0x59: {  	v10 =	vld [tilespmem:s14+$0xFFFFFFF0]  }
0x5a: {  	v11 =	vld [tilespmem:s16+$0xFFFFFFF0]  }
0x5b: {  	v12 =	vld [tilespmem:s17+$0xFFFFFFE0]  }
0x5c: {  	v13 =	vld [tilespmem:s17+$0xFFFFFFF0]  }
0x5d: {  	v14 =	vld [tilespmem:s16+$0x10]  }
0x5e: {  	v15 =	vld [tilespmem:s17+$0x0];
	s23 =	sadd.s32 $0x40, s16  }
0x5f: {  	s28 =	sadd.s32 $0x40, s17;
	v16 =	vld [tilespmem:s23+$0x10]  }
0x60: {  	v17 =	vld [tilespmem:s28+$0x0];
	v8 =	vadd.f32 v9, v8;
	v9 =	vadd.f32 v11, v10  }
0x61: {  	s22 =	sadd.s32 $0x40, s14;
	v10 =	vld [tilespmem:s17+$0x10];
	v6 =	vadd.f32 v7, v6  }
0x62: {  	v7 =	vld [tilespmem:s22+$0x0];
	v8 =	vsub.f32 v8, v12;
	v9 =	vsub.f32 v9, v13  }
0x63: {  	v5 =	vadd.f32 v14, v5;
	v14 =	vld [tilespmem:s23+$0xFFFFFFE0]  }
0x64: {  	v12 =	vld [tilespmem:s23+$0x0];
	v6 =	vsub.f32 v6, v15;
	v8 =	vand.u32 $0x7FFFFFFF, v8;
	v9 =	vand.u32 $0x7FFFFFFF, v9  }
0x65: {  	v13 =	vld [tilespmem:s22+$0xFFFFFFE0];
	v8 =	vadd.f32 v9, v8  }
0x66: {  	v6 =	vand.u32 $0x7FFFFFFF, v6;
	v9 =	vld [tilespmem:s22+$0xFFFFFFF0];
	v5 =	vsub.f32 v5, v10  }
0x67: {  	v10 =	vld [tilespmem:s23+$0xFFFFFFF0];
	v6 =	vadd.f32 v6, v8  }
0x68: {  	v15 =	vld [tilespmem:s28+$0xFFFFFFF0];
	v5 =	vand.u32 $0x7FFFFFFF, v5  }
0x69: {  	v8 =	vld [tilespmem:s28+$0xFFFFFFE0];
	v5 =	vadd.f32 v5, v6  }
0x6a: {  	v11 =	vld [tilespmem:s22+$0x10]  }
0x6b: {  	v18 =	vperm.xlane v5, v0  }
0x6c: {  	s25 =	sadd.s32 $0x40, s22;
	v13 =	vadd.f32 v14, v13;
	v14 =	vld [tilespmem:s28+$0x10];
	v9 =	vadd.f32 v10, v9  }
0x6d: {  	v12 =	vadd.f32 v12, v7;
	v7 =	vld [tilespmem:s25+$0x0];
	v5 =	vadd.f32 v5, v18  }
0x6e: {  	v6 =	vld [tilespmem:s25+$0x10];
	v13 =	vsub.f32 v13, v8;
	v9 =	vsub.f32 v9, v15  }
0x6f: {  	v17 =	vsub.f32 v12, v17;
	v12 =	vld [tilespmem:s25+$0xFFFFFFF0];
	v15 =	vadd.f32 v16, v11;
	v16 =	vperm.xlane v5, v1  }
0x70: {  	s26 =	sadd.s32 $0x40, s23;
	v10 =	vld [tilespmem:s25+$0xFFFFFFE0];
	v13 =	vand.u32 $0x7FFFFFFF, v13;
	v9 =	vand.u32 $0x7FFFFFFF, v9  }
0x71: {  	v8 =	vld [tilespmem:s26+$0x0];
	v13 =	vadd.f32 v9, v13;
	v9 =	vadd.f32 v5, v16  }
0x72: {  	s24 =	simm.s32 $0x0;
	s29 =	simm.s32 $0x3;
	v11 =	vld [tilespmem:s26+$0xFFFFFFE0];
	v14 =	vsub.f32 v15, v14;
	v16 =	vand.u32 $0x7FFFFFFF, v17  }
0x73: {  	s22 =	simm.s32 $0x1;
	s23 =	simm.s32 $0x2;
	s28 =	sadd.s32 $0x40, s28;
	v15 =	vld [tilespmem:s26+$0xFFFFFFF0];
	v5 =	vimm.f32 $0.0e+00;
	v16 =	vadd.f32 v16, v13;
	v13 =	vperm.xlane v9, v2  }
.LBB2_3:
0x74: {  	p0 =	sne.s32 s29, $0xF;
	v17 =	vld [tilespmem:s28+$0xFFFFFFE0];
	v14 =	vand.u32 $0x7FFFFFFF, v14  }
0x75: {  	v18 =	vld [tilespmem:s28+$0xFFFFFFF0];
	v14 =	vadd.f32 v14, v16;
	v9 =	vadd.f32 v9, v13  }
0x76: {  	v13 =	vld [tilespmem:s26+$0x10]  }
0x77: {  	v16 =	vadd.f32 v8, v7;
	v19 =	vld [tilespmem:s28+$0x0];
	v7 =	vperm.xlane v14, v0;
	v8 =	vperm.xlane v9, v3  }
0x78: {  	s25 =	sadd.s32 $0x40, s25;
	v10 =	vadd.f32 v11, v10;
	v11 =	vadd.f32 v15, v12;
	v15 =	vld [tilespmem:s28+$0x10]  }
0x79: {  	v20 =	vld [tilespmem:s25+$0x10];
	v12 =	vadd.f32 v14, v7;
	v9 =	vadd.f32 v9, v8;
	v8 =	vmov s24;
	s24 =	smov.u32 s22;
	s22 =	smov.u32 s23;
	s23 =	smov.u32 s29  }
0x7a: {  	s26 =	sadd.s32 $0x40, s26;
	v14 =	vsub.f32 v10, v17;
	v7 =	vld [tilespmem:s25+$0x0];
	v11 =	vsub.f32 v11, v18;
	vm0 =	veq.s32 v8, v4  }
.Ltmp0:
0x7b: {  	v8 =	vld [tilespmem:s26+$0x0];
	v21 =	vadd.f32 v13, v6;
	v13 =	vperm.xlane v12, v1;
	v17 =	vadd.f32 $-1.200000000e+01, v9;
	(pc) =	sbr.rel @p0 .LBB2_3-.Ltmp0, $4  }
0x7c: {  	v9 =	vand.u32 $0x7FFFFFFF, v14;
	v10 =	vld [tilespmem:s25+$0xFFFFFFE0];
	v14 =	vand.u32 $0x7FFFFFFF, v11;
	v16 =	vsub.f32 v16, v19  }
0x7d: {  	v11 =	vld [tilespmem:s26+$0xFFFFFFE0];
	v18 =	vadd.f32 v14, v9;
	v9 =	vadd.f32 v12, v13;
	v5 =	vsel vm0, v17, v5  }
0x7e: {  	v14 =	vsub.f32 v21, v15;
	v12 =	vld [tilespmem:s25+$0xFFFFFFF0];
	v13 =	vand.u32 $0x7FFFFFFF, v16;
	v6 =	vmov v20  }
0x7f: {  	s28 =	sadd.s32 $0x40, s28;
	s29 =	sadd.s32 $0x1, s29;
	v15 =	vld [tilespmem:s26+$0xFFFFFFF0];
	v16 =	vadd.f32 v13, v18;
	v13 =	vperm.xlane v9, v2  }
0x80: {  	v17 =	vld [tilespmem:s28+$0xFFFFFFE0]  }
0x81: {  	v18 =	vld [tilespmem:s28+$0xFFFFFFF0]  }
0x82: {  	v19 =	vld [tilespmem:s26+$0x10]  }
0x83: {  	v20 =	vld [tilespmem:s28+$0x0]  }
0x84: {  	v10 =	vadd.f32 v11, v10;
	v54 =	vadd.f32 v15, v12  }
0x85: {  	v7 =	vadd.f32 v8, v7;
	v55 =	vld [tilespmem:s28+$0x10]  }
0x86: {  	v10 =	vsub.f32 v10, v17;
	v11 =	vsub.f32 v54, v18  }
0x87: {  	v6 =	vadd.f32 v19, v6  }
0x88: {  	v7 =	vsub.f32 v7, v20;
	v10 =	vand.u32 $0x7FFFFFFF, v10;
	v11 =	vand.u32 $0x7FFFFFFF, v11  }
0x89: {  	v10 =	vadd.f32 v11, v10  }
0x8a: {  	v7 =	vand.u32 $0x7FFFFFFF, v7;
	v6 =	vsub.f32 v6, v55  }
0x8b: {  	v56 =	vand.u32 $0x7FFFFFFF, v14;
	v7 =	vadd.f32 v7, v10  }
0x8c: {  	v8 =	vadd.f32 v56, v16;
	v6 =	vand.u32 $0x7FFFFFFF, v6  }
0x8d: {  	v6 =	vadd.f32 v6, v7  }
0x8e: {  	v7 =	vperm.xlane v8, v0  }
0x8f: {  	v57 =	vperm.xlane v6, v0  }
0x90: {  	v7 =	vadd.f32 v8, v7  }
0x91: {  	v6 =	vadd.f32 v6, v57  }
0x92: {  	v8 =	vperm.xlane v7, v1  }
0x93: {  	v10 =	vperm.xlane v6, v1  }
0x94: {  	v7 =	vadd.f32 v7, v8  }
0x95: {  	v6 =	vadd.f32 v6, v10  }
0x96: {  	v59 =	vperm.xlane v7, v2  }
0x97: {  	v58 =	vadd.f32 v9, v13;
	v10 =	vperm.xlane v6, v2  }
0x98: {  	v7 =	vadd.f32 v7, v59  }
0x99: {  	v60 =	vperm.xlane v58, v3;
	v6 =	vadd.f32 v6, v10  }
0x9a: {  	v9 =	vperm.xlane v7, v3  }
0x9b: {  	v8 =	vadd.f32 v58, v60;
	v10 =	vperm.xlane v6, v3  }
0x9c: {  	v61 =	vmov s24;
	s29 =	sshll.u32 s18, $0x4;
	s18 =	sadd.s32 $0x1, s18;
	v7 =	vadd.f32 v7, v9  }
0x9d: {  	v62 =	vmov s22;
	p0 =	sne.s32 s18, $0x20;
	v8 =	vadd.f32 $-1.200000000e+01, v8;
	v6 =	vadd.f32 v6, v10  }
.Ltmp1:
0x9e: {  	v63 =	vmov s23;
	vm0 =	veq.s32 v61, v4;
	v7 =	vadd.f32 $-1.200000000e+01, v7;
	(pc) =	sbr.rel @p0 .LBB2_2-.Ltmp1, $4  }
0x9f: {  	vm14 =	veq.s32 v62, v4;
	v5 =	vsel vm0, v8, v5;
	v6 =	vadd.f32 $-1.200000000e+01, v6  }
0xa0: {  	vm15 =	veq.s32 v63, v4;
	v5 =	vsel vm14, v7, v5  }
0xa1: {  	s22 =	sand.u32 $0x3FFFFFF0, s29;
	v5 =	vsel vm15, v6, v5  }
0xa2: {  	s14 =	sadd.s32 $0x400, s14;
	s16 =	sadd.s32 $0x400, s16;
	s17 =	sadd.s32 $0x400, s17;
	[tilespmem:s22+$0x18600] =	vst v5  }
0xa3: {  	s13 =	sadd.s32 $0x1, s13  }
0xa4: {  	p0 =	sne.s32 s13, s19  }
.Ltmp2:
0xa5: {  	_ = 	snop;
	(pc) =	sbr.rel @p0 .LBB2_1-.Ltmp2, $4  }
0xa6: {  	[hbm4b:s15+s2] =	stream.linear.scatter [tilespmem:s12], [sflag:$0x2], $0x200, $0x38;
	[tilespmem:$0x18800] =	vst v63  }
0xa7: {  	_ =	swait.ge [sflag:s20], $0x200  }
0xa8: {  	[sflag:s20] =	ssyncset.done $0x0  }
0xa9: {  	[sflag:s20] =	ssyncadd.s32 $0xFFFFFE00  }
0xaa: {  	_ =	sfence.sel $0x180000  }
0xab: {  	[bflag:$0x0] =	sbarrier.arrive $0xFFFF  }
0xac: {  	_ =	strace $0x90000047  }
0xad: {  	s0 =	stileid.u32;
	[bflag:$0x2] =	sbarrier.arrive $0xFFFF  }
0xae: {  	p0 =	sne.s32 s0, $0x0;
	s0 =	rddreg [dreg:$0x2]  }
0xaf: {  	s0 =	sadd.s32 @!p0 $0x100000, s0  }
0xb0: {  	[sflag:s0] =	ssyncadd.tile.s32 @!p0 $0x1;
	_ =	shalt  }
.Lfunc_end2:
_tile_overlayer_lowered:
.L_overlay_start_2:
0xb1: {  	(tag) =	ssettag $0x2  }
0xb2: {  	s0 =	rddreg [dreg:$0x0];
	s2 =	stileid.u32  }
0xb3: {  	s1 =	rddreg [dreg:$0x1];
	p0 =	sne.s32 s2, $0x0  }
0xb4: {  	s3 =	rddreg [dreg:$0x2];
	[bflag:$0x3] =	sbarrier.arrive $0xFFFF;
	s2 =	simm.s32 @!p0 $0x1C02  }
0xb5: {  	[timem:s3], [sflag:s2] =	dma.local @!p0 [hbm:s0], s1  }
0xb6: {  	s0 =	simm.s32 @!p0 $0x2  }
0xb7: {  	_ =	swait.ge @!p0 [sflag:s0], s1  }
0xb8: {  	s1 =	ssub.s32 @!p0 $0x0, s1;
	[sflag:s0] =	ssyncset.done @!p0 $0x0  }
0xb9: {  	[sflag:s0] =	ssyncadd.s32 @!p0 s1  }
0xba: {  	[bflag:$0x3] =	sbarrier.arrive $0xFFFF  }
0xbb: {  	_ =	shalt  }

</sc_bundles>
